<compile_context>
chip_gen: v7x
topology: tpu7x:2x2x1
jax: 0.10.2.dev20260603
libtpu: 0.0.44.dev20260713+nightly
codegen_flags: <defaults>
</compile_context>

<pallas_src>
import functools

import jax
import jax.numpy as jnp
from jax import lax
from jax.experimental import pallas as pl
from jax.experimental.pallas import tpu as pltpu
from jax.experimental.pallas import tpu_sc as plsc

NC, NS, L = 2, 16, 16
NW = NC * NS
V = 1000
B_TOT = 1024 * 50
BPW = B_TOT // NW
CH = 32
NCHUNK = BPW // CH
NPAIR = NCHUNK // 2
GRP = CH // L
CT = V // 8
TB = B_TOT // 128


def _lse_body(table_ref, lse_ref):
    t = table_ref[...]
    m = jnp.max(t, axis=1, keepdims=True)
    s = jnp.sum(jnp.exp(t - m), axis=1, keepdims=True)
    lse_ref[...] = m + jnp.log(s)


_lse_call = pl.pallas_call(
    _lse_body,
    out_shape=jax.ShapeDtypeStruct((V, 1), jnp.float32),
)

_sc_mesh = plsc.VectorSubcoreMesh(
    core_axis_name="c", subcore_axis_name="s", num_cores=NC, num_subcores=NS
)


@functools.partial(
    pl.kernel,
    out_type=(
        jax.ShapeDtypeStruct((CT, TB, 8, 128), jnp.float32),
        jax.ShapeDtypeStruct((NW, L), jnp.float32),
    ),
    mesh=_sc_mesh,
    compiler_params=pltpu.CompilerParams(
        use_tc_tiling_on_sc=False, needs_layout_passes=False
    ),
    scratch_types=[
        pltpu.VMEM((BPW,), jnp.int32),
        pltpu.VMEM((CH,), jnp.int32),
        pltpu.VMEM((CH,), jnp.int32),
        pltpu.VMEM((V,), jnp.float32),
        pltpu.VMEM((CH, V), jnp.float32),
        pltpu.VMEM((CH, V), jnp.float32),
        pltpu.VMEM((CT, 1, 8, CH), jnp.float32),
        pltpu.VMEM((CT, 1, 8, CH), jnp.float32),
        pltpu.VMEM((L,), jnp.float32),
        pltpu.SemaphoreType.DMA,
        pltpu.SemaphoreType.DMA,
        pltpu.SemaphoreType.DMA,
        pltpu.SemaphoreType.DMA,
    ],
)
def _sc_gather(table_hbm, xy_hbm, lse_hbm, out_hbm, part_hbm,
               xy_v, xd0, xd1, lse_v, rows0, rows1, tbuf0, tbuf1, acc_v,
               sem_in0, sem_in1, sem_out0, sem_out1):
    wid = lax.axis_index("s") * NC + lax.axis_index("c")
    base = wid * BPW
    cbase = wid * NCHUNK
    pltpu.sync_copy(xy_hbm.at[pl.ds(base, BPW)], xy_v)
    pltpu.sync_copy(lse_hbm, lse_v)
    rows = (rows0, rows1)
    xd = (xd0, xd1)
    tbuf = (tbuf0, tbuf1)
    sem_in = (sem_in0, sem_in1)
    sem_out = (sem_out0, sem_out1)
    lanes = lax.iota(jnp.int32, L)

    def gather_start(ci, b):
        off = pl.multiple_of(ci * CH, 8)
        for gi in range(GRP):
            xd[b][pl.ds(gi * L, L)] = (
                xy_v[pl.ds(off + gi * L, L)] >> 10
            )
        pltpu.async_copy(table_hbm.at[xd[b]], rows[b], sem_in[b])

    def gather_wait(b):
        pltpu.make_async_copy(table_hbm.at[xd[b]], rows[b], sem_in[b]).wait()

    def tiles_wait(b):
        pltpu.make_async_copy(
            tbuf[b], out_hbm.at[:, pl.ds(0, 1), :, pl.ds(0, CH)], sem_out[b]
        ).wait()

    gather_start(0, 0)

    def pair_body(g, acc):
        for b in range(2):
            ci = 2 * g + b

            @pl.when(ci + 1 < NCHUNK)
            def _():
                gather_start(ci + 1, 1 - b)

            gather_wait(b)
            rows_v = rows[b]

            @pl.when(g >= 1)
            def _():
                tiles_wait(b)

            tb_v = tbuf[b]

            @plsc.parallel_loop(0, CT, 1, unroll=1)
            def tr_body(c0):
                cb = c0 * 8
                for r in range(8):
                    col = jnp.full((L,), cb + r, jnp.int32)
                    for gi in range(GRP):
                        vals = plsc.load_gather(
                            rows_v, [lanes + gi * L, col]
                        )
                        tb_v[c0, 0, r, pl.ds(gi * L, L)] = vals

            gci = cbase + ci
            ti = gci // 4
            l0 = pl.multiple_of((gci % 4) * CH, 8)
            pltpu.async_copy(
                tb_v, out_hbm.at[:, pl.ds(ti, 1), :, pl.ds(l0, CH)],
                sem_out[b],
            )

            off = pl.multiple_of(ci * CH, 8)
            for gi in range(GRP):
                xy = xy_v[pl.ds(off + gi * L, L)]
                xg = xy >> 10
                cols = xy & 1023
                tgt = plsc.load_gather(rows_v, [lanes + gi * L, cols])
                lse_g = plsc.load_gather(lse_v, [xg])
                acc = acc + (lse_g - tgt)

        return acc

    acc = lax.fori_loop(0, NPAIR, pair_body, jnp.zeros((L,), jnp.float32))
    tiles_wait(0)
    tiles_wait(1)
    acc_v[...] = acc
    pltpu.sync_copy(acc_v, part_hbm.at[wid])


def kernel(x, y, table):
    xf = x.reshape(-1).astype(jnp.int32)
    yf = y.reshape(-1).astype(jnp.int32)
    xy = (xf << 10) | yf
    lse = _lse_call(table).reshape(V)
    tiles, parts = _sc_gather(table, xy, lse)
    logits2 = tiles.transpose(1, 3, 0, 2).reshape(B_TOT, V)
    loss = jnp.sum(parts) / B_TOT
    return (logits2, loss)

# --- scband reference (transcript-rebuilt; emitter-appended) ---
"""Pipeline reference for scband-embedding-layer-65541200936999 (READ-ONLY COPY).

The authoritative reference and input builder live on the scoring server;
editing this copy changes nothing except your own understanding.
"""

import jax, jax.numpy as jnp
import numpy as np

VOCAB = 1000
B, T = 1024, 50


def setup_inputs(seed: int = 0) -> dict:
    key = jax.random.key(seed)
    k1, k2, k3 = jax.random.split(key, 3)
    x = jax.random.randint(k1, (B, T), 0, VOCAB, dtype=jnp.int64 if jax.config.jax_enable_x64 else jnp.int32)
    y = jax.random.randint(k2, (B, T), 0, VOCAB, dtype=jnp.int64 if jax.config.jax_enable_x64 else jnp.int32)
    table = jax.random.normal(k3, (VOCAB, VOCAB), dtype=jnp.float32) * 0.02
    return {"x": x, "y": y, "table": table}


def reference(x, y, table):
    # logits = token_embedding_table(x): gather rows of [VOCAB, VOCAB] table
    logits = jnp.take(table, x, axis=0)  # [B, T, C]
    Bb, Tt, C = logits.shape
    logits2 = logits.reshape(Bb * Tt, C)
    targets = y.reshape(Bb * Tt)
    # F.cross_entropy = mean NLL of log_softmax
    logz = jax.nn.log_softmax(logits2, axis=-1)
    nll = -jnp.take_along_axis(logz, targets[:, None], axis=1)[:, 0]
    loss = jnp.mean(nll)
    return (logits2, loss)

if __name__ == "__main__":
    import jax
    _d = setup_inputs()
    print(jax.jit(kernel)(*tuple(_d.values())))

</pallas_src>

<mosaic_0001>
#map = affine_map<(d0, d1) -> (0, 0)>
#map1 = affine_map<(d0, d1) -> (0)>
#map2 = affine_map<(d0, d1) -> (0, 0, 0, 0)>
module attributes {stable_mosaic.version = 14 : i64} {
  func.func @_sc_gather(%arg0: i32, %arg1: i32, %arg2: memref<1000x1000xf32, #tpu.memory_space<hbm>>, %arg3: memref<51200xi32, #tpu.memory_space<hbm>>, %arg4: memref<1000xf32, #tpu.memory_space<hbm>>, %arg5: memref<125x400x8x128xf32, #tpu.memory_space<hbm>>, %arg6: memref<32x16xf32, #tpu.memory_space<hbm>>, %arg7: memref<1600xi32, #tpu.memory_space<vmem>>, %arg8: memref<32xi32, #tpu.memory_space<vmem>>, %arg9: memref<32xi32, #tpu.memory_space<vmem>>, %arg10: memref<1000xf32, #tpu.memory_space<vmem>>, %arg11: memref<32x1000xf32, #tpu.memory_space<vmem>>, %arg12: memref<32x1000xf32, #tpu.memory_space<vmem>>, %arg13: memref<125x1x8x32xf32, #tpu.memory_space<vmem>>, %arg14: memref<125x1x8x32xf32, #tpu.memory_space<vmem>>, %arg15: memref<16xf32, #tpu.memory_space<vmem>>, %arg16: memref<!tpu.dma_semaphore, #tpu.memory_space<semaphore_mem>>, %arg17: memref<!tpu.dma_semaphore, #tpu.memory_space<semaphore_mem>>, %arg18: memref<!tpu.dma_semaphore, #tpu.memory_space<semaphore_mem>>, %arg19: memref<!tpu.dma_semaphore, #tpu.memory_space<semaphore_mem>>) attributes {dimension_semantics = [#tpu.dimension_semantics<core_parallel>, #tpu.dimension_semantics<subcore_parallel>], iteration_bounds = array<i64: 2, 16>, scalar_prefetch = 0 : i64, scratch_operands = 13 : i64, tpu.core_type = #tpu.core_type<sc_vector_subcore>, window_params = [{transform_indices = #map}, {transform_indices = #map1}, {transform_indices = #map1}, {transform_indices = #map2}, {transform_indices = #map}]} {
    %mul3A = arith.constant 2 : i32
    %mul3A_0 = arith.muli %arg1, %mul3A : i32
    %add3A = arith.addi %mul3A_0, %arg0 : i32
    %mul3A_1 = arith.constant 1600 : i32
    %mul3A_2 = arith.muli %add3A, %mul3A_1 : i32
    %mul3A_3 = arith.constant 50 : i32
    %mul3A_4 = arith.muli %add3A, %mul3A_3 : i32
    "tpu.region"() ({
      %run_scoped3A = tpu.sem_alloc : memref<!tpu.dma_semaphore, #tpu.memory_space<semaphore_mem>>
      %dma_start3A_50 = tpu.memref_slice %arg3[%mul3A_2] : memref<51200xi32, #tpu.memory_space<hbm>> -> memref<1600xi32, #tpu.memory_space<hbm>>
      %dma_start3A_51 = tpu.memref_slice %arg3[%mul3A_2] : memref<51200xi32, #tpu.memory_space<hbm>> -> memref<1600xi32, #tpu.memory_space<hbm>>
      tpu.enqueue_dma source(%dma_start3A_51 : memref<1600xi32, #tpu.memory_space<hbm>>) target(%arg7 : memref<1600xi32, #tpu.memory_space<vmem>>) target_semaphore(%run_scoped3A : memref<!tpu.dma_semaphore, #tpu.memory_space<semaphore_mem>>)
      %dma_wait3A_52 = tpu.memref_slice %arg3[%mul3A_2] : memref<51200xi32, #tpu.memory_space<hbm>> -> memref<1600xi32, #tpu.memory_space<hbm>>
      %dma_wait3A_53 = tpu.memref_slice %arg3[%mul3A_2] : memref<51200xi32, #tpu.memory_space<hbm>> -> memref<1600xi32, #tpu.memory_space<hbm>>
      tpu.wait_dma2 semaphore(%run_scoped3A : memref<!tpu.dma_semaphore, #tpu.memory_space<semaphore_mem>>) src(%dma_wait3A_53 : memref<1600xi32, #tpu.memory_space<hbm>>) dst(%arg7 : memref<1600xi32, #tpu.memory_space<vmem>>)
      tpu.yield
    }) : () -> ()
    "tpu.region"() ({
      %run_scoped3A = tpu.sem_alloc : memref<!tpu.dma_semaphore, #tpu.memory_space<semaphore_mem>>
      tpu.enqueue_dma source(%arg4 : memref<1000xf32, #tpu.memory_space<hbm>>) target(%arg10 : memref<1000xf32, #tpu.memory_space<vmem>>) target_semaphore(%run_scoped3A : memref<!tpu.dma_semaphore, #tpu.memory_space<semaphore_mem>>)
      tpu.wait_dma2 semaphore(%run_scoped3A : memref<!tpu.dma_semaphore, #tpu.memory_space<semaphore_mem>>) src(%arg4 : memref<1000xf32, #tpu.memory_space<hbm>>) dst(%arg10 : memref<1000xf32, #tpu.memory_space<vmem>>)
      tpu.yield
    }) : () -> ()
    %iota3A = tpu.iota {dimensions = array<i32: 0>} : vector<16xi32>
    %multiple_of3A = arith.constant 0 : i32
    %multiple_of3A_5 = tpu.assume_multiple %multiple_of3A, 8 : i32
    %add3A_6 = arith.constant 0 : i32
    %add3A_7 = arith.addi %multiple_of3A_5, %add3A_6 : i32
    %get3A = arith.index_cast %add3A_7 : i32 to index
    %get3A_8 = tpu.vector_load %arg7[%get3A] {strides = array<i32>} : memref<1600xi32, #tpu.memory_space<vmem>>, vector<16xi32>,
    %shift_right_arithmetic3A = arith.constant 10 : i32
    %shift_right_arithmetic3A_9 = vector.broadcast %shift_right_arithmetic3A : i32 to vector<16xi32>
    %shift_right_arithmetic3A_10 = arith.shrsi %get3A_8, %shift_right_arithmetic3A_9 : vector<16xi32>
    %swap3A = arith.constant 0 : index
    %swap3A_11 = tpu.vector_load %arg8[%swap3A] {strides = array<i32>} : memref<32xi32, #tpu.memory_space<vmem>>, vector<16xi32>,
    tpu.vector_store %arg8[%swap3A], %shift_right_arithmetic3A_10 {strides = array<i32>} : memref<32xi32, #tpu.memory_space<vmem>>, vector<16xi32>,
    %add3A_12 = arith.constant 16 : i32
    %add3A_13 = arith.addi %multiple_of3A_5, %add3A_12 : i32
    %get3A_14 = arith.index_cast %add3A_13 : i32 to index
    %get3A_15 = tpu.vector_load %arg7[%get3A_14] {strides = array<i32>} : memref<1600xi32, #tpu.memory_space<vmem>>, vector<16xi32>,
    %shift_right_arithmetic3A_16 = arith.constant 10 : i32
    %shift_right_arithmetic3A_17 = vector.broadcast %shift_right_arithmetic3A_16 : i32 to vector<16xi32>
    %shift_right_arithmetic3A_18 = arith.shrsi %get3A_15, %shift_right_arithmetic3A_17 : vector<16xi32>
    %swap3A_19 = arith.constant 16 : index
    %swap3A_20 = tpu.vector_load %arg8[%swap3A_19] {strides = array<i32>} : memref<32xi32, #tpu.memory_space<vmem>>, vector<16xi32>,
    tpu.vector_store %arg8[%swap3A_19], %shift_right_arithmetic3A_18 {strides = array<i32>} : memref<32xi32, #tpu.memory_space<vmem>>, vector<16xi32>,
    %dma_start3A = arith.constant 0 : i32
    %dma_start3A_21 = arith.constant 0 : i32
    %dma_start3A_22 = tpu.memref_slice %arg2[%dma_start3A, %dma_start3A_21] : memref<1000x1000xf32, #tpu.memory_space<hbm>> -> memref<1000x1000xf32, #tpu.memory_space<hbm>>
    tpu.enqueue_indirect_dma source(%dma_start3A_22 : memref<1000x1000xf32, #tpu.memory_space<hbm>>) target(%arg11 : memref<32x1000xf32, #tpu.memory_space<vmem>>) offsets(%arg8 : memref<32xi32, #tpu.memory_space<vmem>>) semaphore(%arg16 : memref<!tpu.dma_semaphore, #tpu.memory_space<semaphore_mem>>)
    %broadcast_in_dim3A = arith.constant 0.000000e+00 : f32
    %broadcast_in_dim3A_23 = vector.broadcast %broadcast_in_dim3A : f32 to vector<16xf32>
    %scan3A = arith.constant 0 : i32
    %scan3A_24 = arith.constant 25 : i32
    %scan3A_25 = arith.addi %scan3A, %scan3A_24 : i32
    %scan3A_26 = arith.constant 1 : i32
    %scan3A_27 = scf.for %scan3A_50 = %scan3A to %scan3A_25 step %scan3A_26 iter_args(%scan3A_51 = %broadcast_in_dim3A_23) -> (vector<16xf32>)  : i32 {
      %mul3A_52 = arith.constant 2 : i32
      %mul3A_53 = arith.muli %mul3A_52, %scan3A_50 : i32
      %add3A_54 = arith.constant 0 : i32
      %add3A_55 = arith.addi %mul3A_53, %add3A_54 : i32
      %add3A_56 = arith.constant 1 : i32
      %add3A_57 = arith.addi %add3A_55, %add3A_56 : i32
      %lt3A = arith.constant 50 : i32
      %lt3A_58 = arith.cmpi slt, %add3A_57, %lt3A : i32
      %convert_element_type3A = arith.extui %lt3A_58 : i1 to i32
      %cond3A = arith.constant 0 : i32
      %cond3A_59 = arith.cmpi ne, %convert_element_type3A, %cond3A : i32
      scf.if %cond3A_59 {
        %add3A_255 = arith.constant 1 : i32
        %add3A_256 = arith.addi %add3A_55, %add3A_255 : i32
        %mul3A_257 = arith.constant 32 : i32
        %mul3A_258 = arith.muli %add3A_256, %mul3A_257 : i32
        %multiple_of3A_259 = tpu.assume_multiple %mul3A_258, 8 : i32
        %add3A_260 = arith.constant 0 : i32
        %add3A_261 = arith.addi %multiple_of3A_259, %add3A_260 : i32
        %get3A_262 = arith.index_cast %add3A_261 : i32 to index
        %get3A_263 = tpu.vector_load %arg7[%get3A_262] {strides = array<i32>} : memref<1600xi32, #tpu.memory_space<vmem>>, vector<16xi32>,
        %shift_right_arithmetic3A_264 = arith.constant 10 : i32
        %shift_right_arithmetic3A_265 = vector.broadcast %shift_right_arithmetic3A_264 : i32 to vector<16xi32>
        %shift_right_arithmetic3A_266 = arith.shrsi %get3A_263, %shift_right_arithmetic3A_265 : vector<16xi32>
        %swap3A_267 = arith.constant 0 : index
        %swap3A_268 = tpu.vector_load %arg9[%swap3A_267] {strides = array<i32>} : memref<32xi32, #tpu.memory_space<vmem>>, vector<16xi32>,
        tpu.vector_store %arg9[%swap3A_267], %shift_right_arithmetic3A_266 {strides = array<i32>} : memref<32xi32, #tpu.memory_space<vmem>>, vector<16xi32>,
        %add3A_269 = arith.constant 16 : i32
        %add3A_270 = arith.addi %multiple_of3A_259, %add3A_269 : i32
        %get3A_271 = arith.index_cast %add3A_270 : i32 to index
        %get3A_272 = tpu.vector_load %arg7[%get3A_271] {strides = array<i32>} : memref<1600xi32, #tpu.memory_space<vmem>>, vector<16xi32>,
        %shift_right_arithmetic3A_273 = arith.constant 10 : i32
        %shift_right_arithmetic3A_274 = vector.broadcast %shift_right_arithmetic3A_273 : i32 to vector<16xi32>
        %shift_right_arithmetic3A_275 = arith.shrsi %get3A_272, %shift_right_arithmetic3A_274 : vector<16xi32>
        %swap3A_276 = arith.constant 16 : index
        %swap3A_277 = tpu.vector_load %arg9[%swap3A_276] {strides = array<i32>} : memref<32xi32, #tpu.memory_space<vmem>>, vector<16xi32>,
        tpu.vector_store %arg9[%swap3A_276], %shift_right_arithmetic3A_275 {strides = array<i32>} : memref<32xi32, #tpu.memory_space<vmem>>, vector<16xi32>,
        %dma_start3A_278 = arith.constant 0 : i32
        %dma_start3A_279 = arith.constant 0 : i32
        %dma_start3A_280 = tpu.memref_slice %arg2[%dma_start3A_278, %dma_start3A_279] : memref<1000x1000xf32, #tpu.memory_space<hbm>> -> memref<1000x1000xf32, #tpu.memory_space<hbm>>
        tpu.enqueue_indirect_dma source(%dma_start3A_280 : memref<1000x1000xf32, #tpu.memory_space<hbm>>) target(%arg12 : memref<32x1000xf32, #tpu.memory_space<vmem>>) offsets(%arg9 : memref<32xi32, #tpu.memory_space<vmem>>) semaphore(%arg17 : memref<!tpu.dma_semaphore, #tpu.memory_space<semaphore_mem>>)
      } else {
      }
      %dma_wait3A_60 = arith.constant 0 : i32
      %dma_wait3A_61 = arith.constant 0 : i32
      %dma_wait3A_62 = tpu.memref_slice %arg2[%dma_wait3A_60, %dma_wait3A_61] : memref<1000x1000xf32, #tpu.memory_space<hbm>> -> memref<1000x1000xf32, #tpu.memory_space<hbm>>
      tpu.wait_indirect_dma semaphore(%arg16 : memref<!tpu.dma_semaphore, #tpu.memory_space<semaphore_mem>>) src(%dma_wait3A_62 : memref<1000x1000xf32, #tpu.memory_space<hbm>>) dst(%arg11 : memref<32x1000xf32, #tpu.memory_space<vmem>>)
      %ge3A = arith.constant 1 : i32
      %ge3A_63 = arith.cmpi sge, %scan3A_50, %ge3A : i32
      %convert_element_type3A_64 = arith.extui %ge3A_63 : i1 to i32
      %cond3A_65 = arith.constant 0 : i32
      %cond3A_66 = arith.cmpi ne, %convert_element_type3A_64, %cond3A_65 : i32
      scf.if %cond3A_66 {
        %dma_wait3A_255 = arith.constant 0 : i32
        %dma_wait3A_256 = arith.constant 0 : i32
        %dma_wait3A_257 = arith.constant 0 : i32
        %dma_wait3A_258 = arith.constant 0 : i32
        %dma_wait3A_259 = tpu.memref_slice %arg5[%dma_wait3A_255, %dma_wait3A_256, %dma_wait3A_257, %dma_wait3A_258] : memref<125x400x8x128xf32, #tpu.memory_space<hbm>> -> memref<125x1x8x32xf32, #tpu.memory_space<hbm>>
        %dma_wait3A_260 = arith.constant 0 : i32
        %dma_wait3A_261 = arith.constant 0 : i32
        %dma_wait3A_262 = arith.constant 0 : i32
        %dma_wait3A_263 = arith.constant 0 : i32
        %dma_wait3A_264 = tpu.memref_slice %arg5[%dma_wait3A_260, %dma_wait3A_261, %dma_wait3A_262, %dma_wait3A_263] : memref<125x400x8x128xf32, #tpu.memory_space<hbm>> -> memref<125x1x8x32xf32, #tpu.memory_space<hbm>>
        tpu.wait_dma2 semaphore(%arg18 : memref<!tpu.dma_semaphore, #tpu.memory_space<semaphore_mem>>) src(%arg13 : memref<125x1x8x32xf32, #tpu.memory_space<vmem>>) dst(%dma_wait3A_264 : memref<125x1x8x32xf32, #tpu.memory_space<hbm>>)
      } else {
      }
      %parallel_loop3A = arith.constant 0 : i32
      %parallel_loop3A_67 = arith.constant 125 : i32
      %parallel_loop3A_68 = arith.constant 1 : i32
      scf.for %parallel_loop3A_255 = %parallel_loop3A to %parallel_loop3A_67 step %parallel_loop3A_68  : i32 {
        %parallel_loop3A_256 = arith.constant 8 : i32
        %parallel_loop3A_257 = arith.muli %parallel_loop3A_255, %parallel_loop3A_256 : i32
        %parallel_loop3A_258 = arith.constant 0 : i32
        %parallel_loop3A_259 = arith.addi %parallel_loop3A_257, %parallel_loop3A_258 : i32
        %parallel_loop3A_260 = vector.broadcast %parallel_loop3A_259 : i32 to vector<16xi32>
        %parallel_loop3A_261 = arith.constant 0 : i32
        %parallel_loop3A_262 = vector.broadcast %parallel_loop3A_261 : i32 to vector<16xi32>
        %parallel_loop3A_263 = arith.addi %iota3A, %parallel_loop3A_262 : vector<16xi32>
        %parallel_loop3A_264 = tpu.vector_load_idx %arg11[%parallel_loop3A_263, %parallel_loop3A_260] : memref<32x1000xf32, #tpu.memory_space<vmem>>[vector<16xi32>, vector<16xi32>], vector<16xf32>,
        %parallel_loop3A_265 = arith.constant 0 : i32
        %parallel_loop3A_266 = arith.constant 0 : i32
        %parallel_loop3A_267 = arith.index_cast %parallel_loop3A_255 : i32 to index
        %parallel_loop3A_268 = arith.index_cast %parallel_loop3A_265 : i32 to index
        %parallel_loop3A_269 = arith.index_cast %parallel_loop3A_266 : i32 to index
        %parallel_loop3A_270 = arith.constant 0 : index
        %parallel_loop3A_271 = tpu.vector_load %arg13[%parallel_loop3A_267, %parallel_loop3A_268, %parallel_loop3A_269, %parallel_loop3A_270] {strides = array<i32>} : memref<125x1x8x32xf32, #tpu.memory_space<vmem>>, vector<16xf32>,
        tpu.vector_store %arg13[%parallel_loop3A_267, %parallel_loop3A_268, %parallel_loop3A_269, %parallel_loop3A_270], %parallel_loop3A_264 {strides = array<i32>} : memref<125x1x8x32xf32, #tpu.memory_space<vmem>>, vector<16xf32>,
        %parallel_loop3A_272 = arith.constant 16 : i32
        %parallel_loop3A_273 = vector.broadcast %parallel_loop3A_272 : i32 to vector<16xi32>
        %parallel_loop3A_274 = arith.addi %iota3A, %parallel_loop3A_273 : vector<16xi32>
        %parallel_loop3A_275 = tpu.vector_load_idx %arg11[%parallel_loop3A_274, %parallel_loop3A_260] : memref<32x1000xf32, #tpu.memory_space<vmem>>[vector<16xi32>, vector<16xi32>], vector<16xf32>,
        %parallel_loop3A_276 = arith.constant 0 : i32
        %parallel_loop3A_277 = arith.constant 0 : i32
        %parallel_loop3A_278 = arith.index_cast %parallel_loop3A_255 : i32 to index
        %parallel_loop3A_279 = arith.index_cast %parallel_loop3A_276 : i32 to index
        %parallel_loop3A_280 = arith.index_cast %parallel_loop3A_277 : i32 to index
        %parallel_loop3A_281 = arith.constant 16 : index
        %parallel_loop3A_282 = tpu.vector_load %arg13[%parallel_loop3A_278, %parallel_loop3A_279, %parallel_loop3A_280, %parallel_loop3A_281] {strides = array<i32>} : memref<125x1x8x32xf32, #tpu.memory_space<vmem>>, vector<16xf32>,
        tpu.vector_store %arg13[%parallel_loop3A_278, %parallel_loop3A_279, %parallel_loop3A_280, %parallel_loop3A_281], %parallel_loop3A_275 {strides = array<i32>} : memref<125x1x8x32xf32, #tpu.memory_space<vmem>>, vector<16xf32>,
        %parallel_loop3A_283 = arith.constant 1 : i32
        %parallel_loop3A_284 = arith.addi %parallel_loop3A_257, %parallel_loop3A_283 : i32
        %parallel_loop3A_285 = vector.broadcast %parallel_loop3A_284 : i32 to vector<16xi32>
        %parallel_loop3A_286 = arith.constant 0 : i32
        %parallel_loop3A_287 = vector.broadcast %parallel_loop3A_286 : i32 to vector<16xi32>
        %parallel_loop3A_288 = arith.addi %iota3A, %parallel_loop3A_287 : vector<16xi32>
        %parallel_loop3A_289 = tpu.vector_load_idx %arg11[%parallel_loop3A_288, %parallel_loop3A_285] : memref<32x1000xf32, #tpu.memory_space<vmem>>[vector<16xi32>, vector<16xi32>], vector<16xf32>,
        %parallel_loop3A_290 = arith.constant 0 : i32
        %parallel_loop3A_291 = arith.constant 1 : i32
        %parallel_loop3A_292 = arith.index_cast %parallel_loop3A_255 : i32 to index
        %parallel_loop3A_293 = arith.index_cast %parallel_loop3A_290 : i32 to index
        %parallel_loop3A_294 = arith.index_cast %parallel_loop3A_291 : i32 to index
        %parallel_loop3A_295 = arith.constant 0 : index
        %parallel_loop3A_296 = tpu.vector_load %arg13[%parallel_loop3A_292, %parallel_loop3A_293, %parallel_loop3A_294, %parallel_loop3A_295] {strides = array<i32>} : memref<125x1x8x32xf32, #tpu.memory_space<vmem>>, vector<16xf32>,
        tpu.vector_store %arg13[%parallel_loop3A_292, %parallel_loop3A_293, %parallel_loop3A_294, %parallel_loop3A_295], %parallel_loop3A_289 {strides = array<i32>} : memref<125x1x8x32xf32, #tpu.memory_space<vmem>>, vector<16xf32>,
        %parallel_loop3A_297 = arith.constant 16 : i32
        %parallel_loop3A_298 = vector.broadcast %parallel_loop3A_297 : i32 to vector<16xi32>
        %parallel_loop3A_299 = arith.addi %iota3A, %parallel_loop3A_298 : vector<16xi32>
        %parallel_loop3A_300 = tpu.vector_load_idx %arg11[%parallel_loop3A_299, %parallel_loop3A_285] : memref<32x1000xf32, #tpu.memory_space<vmem>>[vector<16xi32>, vector<16xi32>], vector<16xf32>,
        %parallel_loop3A_301 = arith.constant 0 : i32
        %parallel_loop3A_302 = arith.constant 1 : i32
        %parallel_loop3A_303 = arith.index_cast %parallel_loop3A_255 : i32 to index
        %parallel_loop3A_304 = arith.index_cast %parallel_loop3A_301 : i32 to index
        %parallel_loop3A_305 = arith.index_cast %parallel_loop3A_302 : i32 to index
        %parallel_loop3A_306 = arith.constant 16 : index
        %parallel_loop3A_307 = tpu.vector_load %arg13[%parallel_loop3A_303, %parallel_loop3A_304, %parallel_loop3A_305, %parallel_loop3A_306] {strides = array<i32>} : memref<125x1x8x32xf32, #tpu.memory_space<vmem>>, vector<16xf32>,
        tpu.vector_store %arg13[%parallel_loop3A_303, %parallel_loop3A_304, %parallel_loop3A_305, %parallel_loop3A_306], %parallel_loop3A_300 {strides = array<i32>} : memref<125x1x8x32xf32, #tpu.memory_space<vmem>>, vector<16xf32>,
        %parallel_loop3A_308 = arith.constant 2 : i32
        %parallel_loop3A_309 = arith.addi %parallel_loop3A_257, %parallel_loop3A_308 : i32
        %parallel_loop3A_310 = vector.broadcast %parallel_loop3A_309 : i32 to vector<16xi32>
        %parallel_loop3A_311 = arith.constant 0 : i32
        %parallel_loop3A_312 = vector.broadcast %parallel_loop3A_311 : i32 to vector<16xi32>
        %parallel_loop3A_313 = arith.addi %iota3A, %parallel_loop3A_312 : vector<16xi32>
        %parallel_loop3A_314 = tpu.vector_load_idx %arg11[%parallel_loop3A_313, %parallel_loop3A_310] : memref<32x1000xf32, #tpu.memory_space<vmem>>[vector<16xi32>, vector<16xi32>], vector<16xf32>,
        %parallel_loop3A_315 = arith.constant 0 : i32
        %parallel_loop3A_316 = arith.constant 2 : i32
        %parallel_loop3A_317 = arith.index_cast %parallel_loop3A_255 : i32 to index
        %parallel_loop3A_318 = arith.index_cast %parallel_loop3A_315 : i32 to index
        %parallel_loop3A_319 = arith.index_cast %parallel_loop3A_316 : i32 to index
        %parallel_loop3A_320 = arith.constant 0 : index
        %parallel_loop3A_321 = tpu.vector_load %arg13[%parallel_loop3A_317, %parallel_loop3A_318, %parallel_loop3A_319, %parallel_loop3A_320] {strides = array<i32>} : memref<125x1x8x32xf32, #tpu.memory_space<vmem>>, vector<16xf32>,
        tpu.vector_store %arg13[%parallel_loop3A_317, %parallel_loop3A_318, %parallel_loop3A_319, %parallel_loop3A_320], %parallel_loop3A_314 {strides = array<i32>} : memref<125x1x8x32xf32, #tpu.memory_space<vmem>>, vector<16xf32>,
        %parallel_loop3A_322 = arith.constant 16 : i32
        %parallel_loop3A_323 = vector.broadcast %parallel_loop3A_322 : i32 to vector<16xi32>
        %parallel_loop3A_324 = arith.addi %iota3A, %parallel_loop3A_323 : vector<16xi32>
        %parallel_loop3A_325 = tpu.vector_load_idx %arg11[%parallel_loop3A_324, %parallel_loop3A_310] : memref<32x1000xf32, #tpu.memory_space<vmem>>[vector<16xi32>, vector<16xi32>], vector<16xf32>,
        %parallel_loop3A_326 = arith.constant 0 : i32
        %parallel_loop3A_327 = arith.constant 2 : i32
        %parallel_loop3A_328 = arith.index_cast %parallel_loop3A_255 : i32 to index
        %parallel_loop3A_329 = arith.index_cast %parallel_loop3A_326 : i32 to index
        %parallel_loop3A_330 = arith.index_cast %parallel_loop3A_327 : i32 to index
        %parallel_loop3A_331 = arith.constant 16 : index
        %parallel_loop3A_332 = tpu.vector_load %arg13[%parallel_loop3A_328, %parallel_loop3A_329, %parallel_loop3A_330, %parallel_loop3A_331] {strides = array<i32>} : memref<125x1x8x32xf32, #tpu.memory_space<vmem>>, vector<16xf32>,
        tpu.vector_store %arg13[%parallel_loop3A_328, %parallel_loop3A_329, %parallel_loop3A_330, %parallel_loop3A_331], %parallel_loop3A_325 {strides = array<i32>} : memref<125x1x8x32xf32, #tpu.memory_space<vmem>>, vector<16xf32>,
        %parallel_loop3A_333 = arith.constant 3 : i32
        %parallel_loop3A_334 = arith.addi %parallel_loop3A_257, %parallel_loop3A_333 : i32
        %parallel_loop3A_335 = vector.broadcast %parallel_loop3A_334 : i32 to vector<16xi32>
        %parallel_loop3A_336 = arith.constant 0 : i32
        %parallel_loop3A_337 = vector.broadcast %parallel_loop3A_336 : i32 to vector<16xi32>
        %parallel_loop3A_338 = arith.addi %iota3A, %parallel_loop3A_337 : vector<16xi32>
        %parallel_loop3A_339 = tpu.vector_load_idx %arg11[%parallel_loop3A_338, %parallel_loop3A_335] : memref<32x1000xf32, #tpu.memory_space<vmem>>[vector<16xi32>, vector<16xi32>], vector<16xf32>,
        %parallel_loop3A_340 = arith.constant 0 : i32
        %parallel_loop3A_341 = arith.constant 3 : i32
        %parallel_loop3A_342 = arith.index_cast %parallel_loop3A_255 : i32 to index
        %parallel_loop3A_343 = arith.index_cast %parallel_loop3A_340 : i32 to index
        %parallel_loop3A_344 = arith.index_cast %parallel_loop3A_341 : i32 to index
        %parallel_loop3A_345 = arith.constant 0 : index
        %parallel_loop3A_346 = tpu.vector_load %arg13[%parallel_loop3A_342, %parallel_loop3A_343, %parallel_loop3A_344, %parallel_loop3A_345] {strides = array<i32>} : memref<125x1x8x32xf32, #tpu.memory_space<vmem>>, vector<16xf32>,
        tpu.vector_store %arg13[%parallel_loop3A_342, %parallel_loop3A_343, %parallel_loop3A_344, %parallel_loop3A_345], %parallel_loop3A_339 {strides = array<i32>} : memref<125x1x8x32xf32, #tpu.memory_space<vmem>>, vector<16xf32>,
        %parallel_loop3A_347 = arith.constant 16 : i32
        %parallel_loop3A_348 = vector.broadcast %parallel_loop3A_347 : i32 to vector<16xi32>
        %parallel_loop3A_349 = arith.addi %iota3A, %parallel_loop3A_348 : vector<16xi32>
        %parallel_loop3A_350 = tpu.vector_load_idx %arg11[%parallel_loop3A_349, %parallel_loop3A_335] : memref<32x1000xf32, #tpu.memory_space<vmem>>[vector<16xi32>, vector<16xi32>], vector<16xf32>,
        %parallel_loop3A_351 = arith.constant 0 : i32
        %parallel_loop3A_352 = arith.constant 3 : i32
        %parallel_loop3A_353 = arith.index_cast %parallel_loop3A_255 : i32 to index
        %parallel_loop3A_354 = arith.index_cast %parallel_loop3A_351 : i32 to index
        %parallel_loop3A_355 = arith.index_cast %parallel_loop3A_352 : i32 to index
        %parallel_loop3A_356 = arith.constant 16 : index
        %parallel_loop3A_357 = tpu.vector_load %arg13[%parallel_loop3A_353, %parallel_loop3A_354, %parallel_loop3A_355, %parallel_loop3A_356] {strides = array<i32>} : memref<125x1x8x32xf32, #tpu.memory_space<vmem>>, vector<16xf32>,
        tpu.vector_store %arg13[%parallel_loop3A_353, %parallel_loop3A_354, %parallel_loop3A_355, %parallel_loop3A_356], %parallel_loop3A_350 {strides = array<i32>} : memref<125x1x8x32xf32, #tpu.memory_space<vmem>>, vector<16xf32>,
        %parallel_loop3A_358 = arith.constant 4 : i32
        %parallel_loop3A_359 = arith.addi %parallel_loop3A_257, %parallel_loop3A_358 : i32
        %parallel_loop3A_360 = vector.broadcast %parallel_loop3A_359 : i32 to vector<16xi32>
        %parallel_loop3A_361 = arith.constant 0 : i32
        %parallel_loop3A_362 = vector.broadcast %parallel_loop3A_361 : i32 to vector<16xi32>
        %parallel_loop3A_363 = arith.addi %iota3A, %parallel_loop3A_362 : vector<16xi32>
        %parallel_loop3A_364 = tpu.vector_load_idx %arg11[%parallel_loop3A_363, %parallel_loop3A_360] : memref<32x1000xf32, #tpu.memory_space<vmem>>[vector<16xi32>, vector<16xi32>], vector<16xf32>,
        %parallel_loop3A_365 = arith.constant 0 : i32
        %parallel_loop3A_366 = arith.constant 4 : i32
        %parallel_loop3A_367 = arith.index_cast %parallel_loop3A_255 : i32 to index
        %parallel_loop3A_368 = arith.index_cast %parallel_loop3A_365 : i32 to index
        %parallel_loop3A_369 = arith.index_cast %parallel_loop3A_366 : i32 to index
        %parallel_loop3A_370 = arith.constant 0 : index
        %parallel_loop3A_371 = tpu.vector_load %arg13[%parallel_loop3A_367, %parallel_loop3A_368, %parallel_loop3A_369, %parallel_loop3A_370] {strides = array<i32>} : memref<125x1x8x32xf32, #tpu.memory_space<vmem>>, vector<16xf32>,
        tpu.vector_store %arg13[%parallel_loop3A_367, %parallel_loop3A_368, %parallel_loop3A_369, %parallel_loop3A_370], %parallel_loop3A_364 {strides = array<i32>} : memref<125x1x8x32xf32, #tpu.memory_space<vmem>>, vector<16xf32>,
        %parallel_loop3A_372 = arith.constant 16 : i32
        %parallel_loop3A_373 = vector.broadcast %parallel_loop3A_372 : i32 to vector<16xi32>
        %parallel_loop3A_374 = arith.addi %iota3A, %parallel_loop3A_373 : vector<16xi32>
        %parallel_loop3A_375 = tpu.vector_load_idx %arg11[%parallel_loop3A_374, %parallel_loop3A_360] : memref<32x1000xf32, #tpu.memory_space<vmem>>[vector<16xi32>, vector<16xi32>], vector<16xf32>,
        %parallel_loop3A_376 = arith.constant 0 : i32
        %parallel_loop3A_377 = arith.constant 4 : i32
        %parallel_loop3A_378 = arith.index_cast %parallel_loop3A_255 : i32 to index
        %parallel_loop3A_379 = arith.index_cast %parallel_loop3A_376 : i32 to index
        %parallel_loop3A_380 = arith.index_cast %parallel_loop3A_377 : i32 to index
        %parallel_loop3A_381 = arith.constant 16 : index
        %parallel_loop3A_382 = tpu.vector_load %arg13[%parallel_loop3A_378, %parallel_loop3A_379, %parallel_loop3A_380, %parallel_loop3A_381] {strides = array<i32>} : memref<125x1x8x32xf32, #tpu.memory_space<vmem>>, vector<16xf32>,
        tpu.vector_store %arg13[%parallel_loop3A_378, %parallel_loop3A_379, %parallel_loop3A_380, %parallel_loop3A_381], %parallel_loop3A_375 {strides = array<i32>} : memref<125x1x8x32xf32, #tpu.memory_space<vmem>>, vector<16xf32>,
        %parallel_loop3A_383 = arith.constant 5 : i32
        %parallel_loop3A_384 = arith.addi %parallel_loop3A_257, %parallel_loop3A_383 : i32
        %parallel_loop3A_385 = vector.broadcast %parallel_loop3A_384 : i32 to vector<16xi32>
        %parallel_loop3A_386 = arith.constant 0 : i32
        %parallel_loop3A_387 = vector.broadcast %parallel_loop3A_386 : i32 to vector<16xi32>
        %parallel_loop3A_388 = arith.addi %iota3A, %parallel_loop3A_387 : vector<16xi32>
        %parallel_loop3A_389 = tpu.vector_load_idx %arg11[%parallel_loop3A_388, %parallel_loop3A_385] : memref<32x1000xf32, #tpu.memory_space<vmem>>[vector<16xi32>, vector<16xi32>], vector<16xf32>,
        %parallel_loop3A_390 = arith.constant 0 : i32
        %parallel_loop3A_391 = arith.constant 5 : i32
        %parallel_loop3A_392 = arith.index_cast %parallel_loop3A_255 : i32 to index
        %parallel_loop3A_393 = arith.index_cast %parallel_loop3A_390 : i32 to index
        %parallel_loop3A_394 = arith.index_cast %parallel_loop3A_391 : i32 to index
        %parallel_loop3A_395 = arith.constant 0 : index
        %parallel_loop3A_396 = tpu.vector_load %arg13[%parallel_loop3A_392, %parallel_loop3A_393, %parallel_loop3A_394, %parallel_loop3A_395] {strides = array<i32>} : memref<125x1x8x32xf32, #tpu.memory_space<vmem>>, vector<16xf32>,
        tpu.vector_store %arg13[%parallel_loop3A_392, %parallel_loop3A_393, %parallel_loop3A_394, %parallel_loop3A_395], %parallel_loop3A_389 {strides = array<i32>} : memref<125x1x8x32xf32, #tpu.memory_space<vmem>>, vector<16xf32>,
        %parallel_loop3A_397 = arith.constant 16 : i32
        %parallel_loop3A_398 = vector.broadcast %parallel_loop3A_397 : i32 to vector<16xi32>
        %parallel_loop3A_399 = arith.addi %iota3A, %parallel_loop3A_398 : vector<16xi32>
        %parallel_loop3A_400 = tpu.vector_load_idx %arg11[%parallel_loop3A_399, %parallel_loop3A_385] : memref<32x1000xf32, #tpu.memory_space<vmem>>[vector<16xi32>, vector<16xi32>], vector<16xf32>,
        %parallel_loop3A_401 = arith.constant 0 : i32
        %parallel_loop3A_402 = arith.constant 5 : i32
        %parallel_loop3A_403 = arith.index_cast %parallel_loop3A_255 : i32 to index
        %parallel_loop3A_404 = arith.index_cast %parallel_loop3A_401 : i32 to index
        %parallel_loop3A_405 = arith.index_cast %parallel_loop3A_402 : i32 to index
        %parallel_loop3A_406 = arith.constant 16 : index
        %parallel_loop3A_407 = tpu.vector_load %arg13[%parallel_loop3A_403, %parallel_loop3A_404, %parallel_loop3A_405, %parallel_loop3A_406] {strides = array<i32>} : memref<125x1x8x32xf32, #tpu.memory_space<vmem>>, vector<16xf32>,
        tpu.vector_store %arg13[%parallel_loop3A_403, %parallel_loop3A_404, %parallel_loop3A_405, %parallel_loop3A_406], %parallel_loop3A_400 {strides = array<i32>} : memref<125x1x8x32xf32, #tpu.memory_space<vmem>>, vector<16xf32>,
        %parallel_loop3A_408 = arith.constant 6 : i32
        %parallel_loop3A_409 = arith.addi %parallel_loop3A_257, %parallel_loop3A_408 : i32
        %parallel_loop3A_410 = vector.broadcast %parallel_loop3A_409 : i32 to vector<16xi32>
        %parallel_loop3A_411 = arith.constant 0 : i32
        %parallel_loop3A_412 = vector.broadcast %parallel_loop3A_411 : i32 to vector<16xi32>
        %parallel_loop3A_413 = arith.addi %iota3A, %parallel_loop3A_412 : vector<16xi32>
        %parallel_loop3A_414 = tpu.vector_load_idx %arg11[%parallel_loop3A_413, %parallel_loop3A_410] : memref<32x1000xf32, #tpu.memory_space<vmem>>[vector<16xi32>, vector<16xi32>], vector<16xf32>,
        %parallel_loop3A_415 = arith.constant 0 : i32
        %parallel_loop3A_416 = arith.constant 6 : i32
        %parallel_loop3A_417 = arith.index_cast %parallel_loop3A_255 : i32 to index
        %parallel_loop3A_418 = arith.index_cast %parallel_loop3A_415 : i32 to index
        %parallel_loop3A_419 = arith.index_cast %parallel_loop3A_416 : i32 to index
        %parallel_loop3A_420 = arith.constant 0 : index
        %parallel_loop3A_421 = tpu.vector_load %arg13[%parallel_loop3A_417, %parallel_loop3A_418, %parallel_loop3A_419, %parallel_loop3A_420] {strides = array<i32>} : memref<125x1x8x32xf32, #tpu.memory_space<vmem>>, vector<16xf32>,
        tpu.vector_store %arg13[%parallel_loop3A_417, %parallel_loop3A_418, %parallel_loop3A_419, %parallel_loop3A_420], %parallel_loop3A_414 {strides = array<i32>} : memref<125x1x8x32xf32, #tpu.memory_space<vmem>>, vector<16xf32>,
        %parallel_loop3A_422 = arith.constant 16 : i32
        %parallel_loop3A_423 = vector.broadcast %parallel_loop3A_422 : i32 to vector<16xi32>
        %parallel_loop3A_424 = arith.addi %iota3A, %parallel_loop3A_423 : vector<16xi32>
        %parallel_loop3A_425 = tpu.vector_load_idx %arg11[%parallel_loop3A_424, %parallel_loop3A_410] : memref<32x1000xf32, #tpu.memory_space<vmem>>[vector<16xi32>, vector<16xi32>], vector<16xf32>,
        %parallel_loop3A_426 = arith.constant 0 : i32
        %parallel_loop3A_427 = arith.constant 6 : i32
        %parallel_loop3A_428 = arith.index_cast %parallel_loop3A_255 : i32 to index
        %parallel_loop3A_429 = arith.index_cast %parallel_loop3A_426 : i32 to index
        %parallel_loop3A_430 = arith.index_cast %parallel_loop3A_427 : i32 to index
        %parallel_loop3A_431 = arith.constant 16 : index
        %parallel_loop3A_432 = tpu.vector_load %arg13[%parallel_loop3A_428, %parallel_loop3A_429, %parallel_loop3A_430, %parallel_loop3A_431] {strides = array<i32>} : memref<125x1x8x32xf32, #tpu.memory_space<vmem>>, vector<16xf32>,
        tpu.vector_store %arg13[%parallel_loop3A_428, %parallel_loop3A_429, %parallel_loop3A_430, %parallel_loop3A_431], %parallel_loop3A_425 {strides = array<i32>} : memref<125x1x8x32xf32, #tpu.memory_space<vmem>>, vector<16xf32>,
        %parallel_loop3A_433 = arith.constant 7 : i32
        %parallel_loop3A_434 = arith.addi %parallel_loop3A_257, %parallel_loop3A_433 : i32
        %parallel_loop3A_435 = vector.broadcast %parallel_loop3A_434 : i32 to vector<16xi32>
        %parallel_loop3A_436 = arith.constant 0 : i32
        %parallel_loop3A_437 = vector.broadcast %parallel_loop3A_436 : i32 to vector<16xi32>
        %parallel_loop3A_438 = arith.addi %iota3A, %parallel_loop3A_437 : vector<16xi32>
        %parallel_loop3A_439 = tpu.vector_load_idx %arg11[%parallel_loop3A_438, %parallel_loop3A_435] : memref<32x1000xf32, #tpu.memory_space<vmem>>[vector<16xi32>, vector<16xi32>], vector<16xf32>,
        %parallel_loop3A_440 = arith.constant 0 : i32
        %parallel_loop3A_441 = arith.constant 7 : i32
        %parallel_loop3A_442 = arith.index_cast %parallel_loop3A_255 : i32 to index
        %parallel_loop3A_443 = arith.index_cast %parallel_loop3A_440 : i32 to index
        %parallel_loop3A_444 = arith.index_cast %parallel_loop3A_441 : i32 to index
        %parallel_loop3A_445 = arith.constant 0 : index
        %parallel_loop3A_446 = tpu.vector_load %arg13[%parallel_loop3A_442, %parallel_loop3A_443, %parallel_loop3A_444, %parallel_loop3A_445] {strides = array<i32>} : memref<125x1x8x32xf32, #tpu.memory_space<vmem>>, vector<16xf32>,
        tpu.vector_store %arg13[%parallel_loop3A_442, %parallel_loop3A_443, %parallel_loop3A_444, %parallel_loop3A_445], %parallel_loop3A_439 {strides = array<i32>} : memref<125x1x8x32xf32, #tpu.memory_space<vmem>>, vector<16xf32>,
        %parallel_loop3A_447 = arith.constant 16 : i32
        %parallel_loop3A_448 = vector.broadcast %parallel_loop3A_447 : i32 to vector<16xi32>
        %parallel_loop3A_449 = arith.addi %iota3A, %parallel_loop3A_448 : vector<16xi32>
        %parallel_loop3A_450 = tpu.vector_load_idx %arg11[%parallel_loop3A_449, %parallel_loop3A_435] : memref<32x1000xf32, #tpu.memory_space<vmem>>[vector<16xi32>, vector<16xi32>], vector<16xf32>,
        %parallel_loop3A_451 = arith.constant 0 : i32
        %parallel_loop3A_452 = arith.constant 7 : i32
        %parallel_loop3A_453 = arith.index_cast %parallel_loop3A_255 : i32 to index
        %parallel_loop3A_454 = arith.index_cast %parallel_loop3A_451 : i32 to index
        %parallel_loop3A_455 = arith.index_cast %parallel_loop3A_452 : i32 to index
        %parallel_loop3A_456 = arith.constant 16 : index
        %parallel_loop3A_457 = tpu.vector_load %arg13[%parallel_loop3A_453, %parallel_loop3A_454, %parallel_loop3A_455, %parallel_loop3A_456] {strides = array<i32>} : memref<125x1x8x32xf32, #tpu.memory_space<vmem>>, vector<16xf32>,
        tpu.vector_store %arg13[%parallel_loop3A_453, %parallel_loop3A_454, %parallel_loop3A_455, %parallel_loop3A_456], %parallel_loop3A_450 {strides = array<i32>} : memref<125x1x8x32xf32, #tpu.memory_space<vmem>>, vector<16xf32>,
      } {sc.loop_unroll_factor = 1 : i64, sc.parallel_access}
      %add3A_69 = arith.addi %mul3A_4, %add3A_55 : i32
      %jit3A = arith.constant 4 : i32
      %div3A = arith.divsi %add3A_69, %jit3A : i32
      %sign3A = arith.constant 0 : i32
      %sign3A_70 = arith.cmpi sgt, %add3A_69, %sign3A : i32
      %sign3A_71 = arith.extui %sign3A_70 : i1 to i32
      %sign3A_72 = arith.constant 0 : i32
      %sign3A_73 = arith.cmpi slt, %add3A_69, %sign3A_72 : i32
      %sign3A_74 = arith.extui %sign3A_73 : i1 to i32
      %sign3A_75 = arith.subi %sign3A_71, %sign3A_74 : i32
      %sign3A_76 = arith.constant 0 : i32
      %sign3A_77 = arith.cmpi sgt, %jit3A, %sign3A_76 : i32
      %sign3A_78 = arith.extui %sign3A_77 : i1 to i32
      %sign3A_79 = arith.constant 0 : i32
      %sign3A_80 = arith.cmpi slt, %jit3A, %sign3A_79 : i32
      %sign3A_81 = arith.extui %sign3A_80 : i1 to i32
      %sign3A_82 = arith.subi %sign3A_78, %sign3A_81 : i32
      %ne3A = arith.cmpi ne, %sign3A_75, %sign3A_82 : i32
      %rem3A = arith.remsi %add3A_69, %jit3A : i32
      %ne3A_83 = arith.constant 0 : i32
      %ne3A_84 = arith.cmpi ne, %rem3A, %ne3A_83 : i32
      %and3A = arith.andi %ne3A, %ne3A_84 : i1
      %sub3A = arith.constant 1 : i32
      %sub3A_85 = arith.subi %div3A, %sub3A : i32
      %select_n3A = arith.select %and3A, %sub3A_85, %div3A : i32
      %jit3A_86 = arith.constant 4 : i32
      %eq3A = arith.constant 0 : i32
      %eq3A_87 = arith.cmpi eq, %jit3A_86, %eq3A : i32
      %jit3A_88 = arith.constant 1 : i32
      %select_n3A_89 = arith.select %eq3A_87, %jit3A_88, %jit3A_86 : i32
      %rem3A_90 = arith.remsi %add3A_69, %select_n3A_89 : i32
      %ne3A_91 = arith.constant 0 : i32
      %ne3A_92 = arith.cmpi ne, %rem3A_90, %ne3A_91 : i32
      %lt3A_93 = arith.constant 0 : i32
      %lt3A_94 = arith.cmpi slt, %rem3A_90, %lt3A_93 : i32
      %lt3A_95 = arith.constant 0 : i32
      %lt3A_96 = arith.cmpi slt, %select_n3A_89, %lt3A_95 : i32
      %ne3A_97 = arith.xori %lt3A_94, %lt3A_96 : i1
      %and3A_98 = arith.andi %ne3A_97, %ne3A_92 : i1
      %add3A_99 = arith.addi %rem3A_90, %select_n3A_89 : i32
      %select_n3A_100 = arith.select %and3A_98, %add3A_99, %rem3A_90 : i32
      %mul3A_101 = arith.constant 32 : i32
      %mul3A_102 = arith.muli %select_n3A_100, %mul3A_101 : i32
      %multiple_of3A_103 = tpu.assume_multiple %mul3A_102, 8 : i32
      %dma_start3A_104 = arith.constant 0 : i32
      %dma_start3A_105 = arith.constant 0 : i32
      %dma_start3A_106 = tpu.memref_slice %arg5[%dma_start3A_104, %select_n3A, %dma_start3A_105, %multiple_of3A_103] : memref<125x400x8x128xf32, #tpu.memory_space<hbm>> -> memref<125x1x8x32xf32, #tpu.memory_space<hbm>>
      %dma_start3A_107 = arith.constant 0 : i32
      %dma_start3A_108 = arith.constant 0 : i32
      %dma_start3A_109 = tpu.memref_slice %arg5[%dma_start3A_107, %select_n3A, %dma_start3A_108, %multiple_of3A_103] : memref<125x400x8x128xf32, #tpu.memory_space<hbm>> -> memref<125x1x8x32xf32, #tpu.memory_space<hbm>>
      tpu.enqueue_dma source(%arg13 : memref<125x1x8x32xf32, #tpu.memory_space<vmem>>) target(%dma_start3A_109 : memref<125x1x8x32xf32, #tpu.memory_space<hbm>>) target_semaphore(%arg18 : memref<!tpu.dma_semaphore, #tpu.memory_space<semaphore_mem>>)
      %mul3A_110 = arith.constant 32 : i32
      %mul3A_111 = arith.muli %add3A_55, %mul3A_110 : i32
      %multiple_of3A_112 = tpu.assume_multiple %mul3A_111, 8 : i32
      %add3A_113 = arith.constant 0 : i32
      %add3A_114 = arith.addi %multiple_of3A_112, %add3A_113 : i32
      %get3A_115 = arith.index_cast %add3A_114 : i32 to index
      %get3A_116 = tpu.vector_load %arg7[%get3A_115] {strides = array<i32>} : memref<1600xi32, #tpu.memory_space<vmem>>, vector<16xi32>,
      %shift_right_arithmetic3A_117 = arith.constant 10 : i32
      %shift_right_arithmetic3A_118 = vector.broadcast %shift_right_arithmetic3A_117 : i32 to vector<16xi32>
      %shift_right_arithmetic3A_119 = arith.shrsi %get3A_116, %shift_right_arithmetic3A_118 : vector<16xi32>
      %and3A_120 = arith.constant 1023 : i32
      %and3A_121 = vector.broadcast %and3A_120 : i32 to vector<16xi32>
      %and3A_122 = arith.andi %get3A_116, %and3A_121 : vector<16xi32>
      %add3A_123 = arith.constant 0 : i32
      %add3A_124 = vector.broadcast %add3A_123 : i32 to vector<16xi32>
      %add3A_125 = arith.addi %iota3A, %add3A_124 : vector<16xi32>
      %gather3A = tpu.vector_load_idx %arg11[%add3A_125, %and3A_122] : memref<32x1000xf32, #tpu.memory_space<vmem>>[vector<16xi32>, vector<16xi32>], vector<16xf32>,
      %gather3A_126 = tpu.vector_load_idx %arg10[%shift_right_arithmetic3A_119] : memref<1000xf32, #tpu.memory_space<vmem>>[vector<16xi32>], vector<16xf32>,
      %sub3A_127 = arith.subf %gather3A_126, %gather3A : vector<16xf32>
      %add3A_128 = arith.addf %scan3A_51, %sub3A_127 : vector<16xf32>
      %add3A_129 = arith.constant 16 : i32
      %add3A_130 = arith.addi %multiple_of3A_112, %add3A_129 : i32
      %get3A_131 = arith.index_cast %add3A_130 : i32 to index
      %get3A_132 = tpu.vector_load %arg7[%get3A_131] {strides = array<i32>} : memref<1600xi32, #tpu.memory_space<vmem>>, vector<16xi32>,
      %shift_right_arithmetic3A_133 = arith.constant 10 : i32
      %shift_right_arithmetic3A_134 = vector.broadcast %shift_right_arithmetic3A_133 : i32 to vector<16xi32>
      %shift_right_arithmetic3A_135 = arith.shrsi %get3A_132, %shift_right_arithmetic3A_134 : vector<16xi32>
      %and3A_136 = arith.constant 1023 : i32
      %and3A_137 = vector.broadcast %and3A_136 : i32 to vector<16xi32>
      %and3A_138 = arith.andi %get3A_132, %and3A_137 : vector<16xi32>
      %add3A_139 = arith.constant 16 : i32
      %add3A_140 = vector.broadcast %add3A_139 : i32 to vector<16xi32>
      %add3A_141 = arith.addi %iota3A, %add3A_140 : vector<16xi32>
      %gather3A_142 = tpu.vector_load_idx %arg11[%add3A_141, %and3A_138] : memref<32x1000xf32, #tpu.memory_space<vmem>>[vector<16xi32>, vector<16xi32>], vector<16xf32>,
      %gather3A_143 = tpu.vector_load_idx %arg10[%shift_right_arithmetic3A_135] : memref<1000xf32, #tpu.memory_space<vmem>>[vector<16xi32>], vector<16xf32>,
      %sub3A_144 = arith.subf %gather3A_143, %gather3A_142 : vector<16xf32>
      %add3A_145 = arith.addf %add3A_128, %sub3A_144 : vector<16xf32>
      %mul3A_146 = arith.constant 2 : i32
      %mul3A_147 = arith.muli %mul3A_146, %scan3A_50 : i32
      %add3A_148 = arith.constant 1 : i32
      %add3A_149 = arith.addi %mul3A_147, %add3A_148 : i32
      %add3A_150 = arith.constant 1 : i32
      %add3A_151 = arith.addi %add3A_149, %add3A_150 : i32
      %lt3A_152 = arith.constant 50 : i32
      %lt3A_153 = arith.cmpi slt, %add3A_151, %lt3A_152 : i32
      %convert_element_type3A_154 = arith.extui %lt3A_153 : i1 to i32
      %cond3A_155 = arith.constant 0 : i32
      %cond3A_156 = arith.cmpi ne, %convert_element_type3A_154, %cond3A_155 : i32
      scf.if %cond3A_156 {
        %add3A_255 = arith.constant 1 : i32
        %add3A_256 = arith.addi %add3A_149, %add3A_255 : i32
        %mul3A_257 = arith.constant 32 : i32
        %mul3A_258 = arith.muli %add3A_256, %mul3A_257 : i32
        %multiple_of3A_259 = tpu.assume_multiple %mul3A_258, 8 : i32
        %add3A_260 = arith.constant 0 : i32
        %add3A_261 = arith.addi %multiple_of3A_259, %add3A_260 : i32
        %get3A_262 = arith.index_cast %add3A_261 : i32 to index
        %get3A_263 = tpu.vector_load %arg7[%get3A_262] {strides = array<i32>} : memref<1600xi32, #tpu.memory_space<vmem>>, vector<16xi32>,
        %shift_right_arithmetic3A_264 = arith.constant 10 : i32
        %shift_right_arithmetic3A_265 = vector.broadcast %shift_right_arithmetic3A_264 : i32 to vector<16xi32>
        %shift_right_arithmetic3A_266 = arith.shrsi %get3A_263, %shift_right_arithmetic3A_265 : vector<16xi32>
        %swap3A_267 = arith.constant 0 : index
        %swap3A_268 = tpu.vector_load %arg8[%swap3A_267] {strides = array<i32>} : memref<32xi32, #tpu.memory_space<vmem>>, vector<16xi32>,
        tpu.vector_store %arg8[%swap3A_267], %shift_right_arithmetic3A_266 {strides = array<i32>} : memref<32xi32, #tpu.memory_space<vmem>>, vector<16xi32>,
        %add3A_269 = arith.constant 16 : i32
        %add3A_270 = arith.addi %multiple_of3A_259, %add3A_269 : i32
        %get3A_271 = arith.index_cast %add3A_270 : i32 to index
        %get3A_272 = tpu.vector_load %arg7[%get3A_271] {strides = array<i32>} : memref<1600xi32, #tpu.memory_space<vmem>>, vector<16xi32>,
        %shift_right_arithmetic3A_273 = arith.constant 10 : i32
        %shift_right_arithmetic3A_274 = vector.broadcast %shift_right_arithmetic3A_273 : i32 to vector<16xi32>
        %shift_right_arithmetic3A_275 = arith.shrsi %get3A_272, %shift_right_arithmetic3A_274 : vector<16xi32>
        %swap3A_276 = arith.constant 16 : index
        %swap3A_277 = tpu.vector_load %arg8[%swap3A_276] {strides = array<i32>} : memref<32xi32, #tpu.memory_space<vmem>>, vector<16xi32>,
        tpu.vector_store %arg8[%swap3A_276], %shift_right_arithmetic3A_275 {strides = array<i32>} : memref<32xi32, #tpu.memory_space<vmem>>, vector<16xi32>,
        %dma_start3A_278 = arith.constant 0 : i32
        %dma_start3A_279 = arith.constant 0 : i32
        %dma_start3A_280 = tpu.memref_slice %arg2[%dma_start3A_278, %dma_start3A_279] : memref<1000x1000xf32, #tpu.memory_space<hbm>> -> memref<1000x1000xf32, #tpu.memory_space<hbm>>
        tpu.enqueue_indirect_dma source(%dma_start3A_280 : memref<1000x1000xf32, #tpu.memory_space<hbm>>) target(%arg11 : memref<32x1000xf32, #tpu.memory_space<vmem>>) offsets(%arg8 : memref<32xi32, #tpu.memory_space<vmem>>) semaphore(%arg16 : memref<!tpu.dma_semaphore, #tpu.memory_space<semaphore_mem>>)
      } else {
      }
      %dma_wait3A_157 = arith.constant 0 : i32
      %dma_wait3A_158 = arith.constant 0 : i32
      %dma_wait3A_159 = tpu.memref_slice %arg2[%dma_wait3A_157, %dma_wait3A_158] : memref<1000x1000xf32, #tpu.memory_space<hbm>> -> memref<1000x1000xf32, #tpu.memory_space<hbm>>
      tpu.wait_indirect_dma semaphore(%arg17 : memref<!tpu.dma_semaphore, #tpu.memory_space<semaphore_mem>>) src(%dma_wait3A_159 : memref<1000x1000xf32, #tpu.memory_space<hbm>>) dst(%arg12 : memref<32x1000xf32, #tpu.memory_space<vmem>>)
      %ge3A_160 = arith.constant 1 : i32
      %ge3A_161 = arith.cmpi sge, %scan3A_50, %ge3A_160 : i32
      %convert_element_type3A_162 = arith.extui %ge3A_161 : i1 to i32
      %cond3A_163 = arith.constant 0 : i32
      %cond3A_164 = arith.cmpi ne, %convert_element_type3A_162, %cond3A_163 : i32
      scf.if %cond3A_164 {
        %dma_wait3A_255 = arith.constant 0 : i32
        %dma_wait3A_256 = arith.constant 0 : i32
        %dma_wait3A_257 = arith.constant 0 : i32
        %dma_wait3A_258 = arith.constant 0 : i32
        %dma_wait3A_259 = tpu.memref_slice %arg5[%dma_wait3A_255, %dma_wait3A_256, %dma_wait3A_257, %dma_wait3A_258] : memref<125x400x8x128xf32, #tpu.memory_space<hbm>> -> memref<125x1x8x32xf32, #tpu.memory_space<hbm>>
        %dma_wait3A_260 = arith.constant 0 : i32
        %dma_wait3A_261 = arith.constant 0 : i32
        %dma_wait3A_262 = arith.constant 0 : i32
        %dma_wait3A_263 = arith.constant 0 : i32
        %dma_wait3A_264 = tpu.memref_slice %arg5[%dma_wait3A_260, %dma_wait3A_261, %dma_wait3A_262, %dma_wait3A_263] : memref<125x400x8x128xf32, #tpu.memory_space<hbm>> -> memref<125x1x8x32xf32, #tpu.memory_space<hbm>>
        tpu.wait_dma2 semaphore(%arg19 : memref<!tpu.dma_semaphore, #tpu.memory_space<semaphore_mem>>) src(%arg14 : memref<125x1x8x32xf32, #tpu.memory_space<vmem>>) dst(%dma_wait3A_264 : memref<125x1x8x32xf32, #tpu.memory_space<hbm>>)
      } else {
      }
      %parallel_loop3A_165 = arith.constant 0 : i32
      %parallel_loop3A_166 = arith.constant 125 : i32
      %parallel_loop3A_167 = arith.constant 1 : i32
      scf.for %parallel_loop3A_255 = %parallel_loop3A_165 to %parallel_loop3A_166 step %parallel_loop3A_167  : i32 {
        %parallel_loop3A_256 = arith.constant 8 : i32
        %parallel_loop3A_257 = arith.muli %parallel_loop3A_255, %parallel_loop3A_256 : i32
        %parallel_loop3A_258 = arith.constant 0 : i32
        %parallel_loop3A_259 = arith.addi %parallel_loop3A_257, %parallel_loop3A_258 : i32
        %parallel_loop3A_260 = vector.broadcast %parallel_loop3A_259 : i32 to vector<16xi32>
        %parallel_loop3A_261 = arith.constant 0 : i32
        %parallel_loop3A_262 = vector.broadcast %parallel_loop3A_261 : i32 to vector<16xi32>
        %parallel_loop3A_263 = arith.addi %iota3A, %parallel_loop3A_262 : vector<16xi32>
        %parallel_loop3A_264 = tpu.vector_load_idx %arg12[%parallel_loop3A_263, %parallel_loop3A_260] : memref<32x1000xf32, #tpu.memory_space<vmem>>[vector<16xi32>, vector<16xi32>], vector<16xf32>,
        %parallel_loop3A_265 = arith.constant 0 : i32
        %parallel_loop3A_266 = arith.constant 0 : i32
        %parallel_loop3A_267 = arith.index_cast %parallel_loop3A_255 : i32 to index
        %parallel_loop3A_268 = arith.index_cast %parallel_loop3A_265 : i32 to index
        %parallel_loop3A_269 = arith.index_cast %parallel_loop3A_266 : i32 to index
        %parallel_loop3A_270 = arith.constant 0 : index
        %parallel_loop3A_271 = tpu.vector_load %arg14[%parallel_loop3A_267, %parallel_loop3A_268, %parallel_loop3A_269, %parallel_loop3A_270] {strides = array<i32>} : memref<125x1x8x32xf32, #tpu.memory_space<vmem>>, vector<16xf32>,
        tpu.vector_store %arg14[%parallel_loop3A_267, %parallel_loop3A_268, %parallel_loop3A_269, %parallel_loop3A_270], %parallel_loop3A_264 {strides = array<i32>} : memref<125x1x8x32xf32, #tpu.memory_space<vmem>>, vector<16xf32>,
        %parallel_loop3A_272 = arith.constant 16 : i32
        %parallel_loop3A_273 = vector.broadcast %parallel_loop3A_272 : i32 to vector<16xi32>
        %parallel_loop3A_274 = arith.addi %iota3A, %parallel_loop3A_273 : vector<16xi32>
        %parallel_loop3A_275 = tpu.vector_load_idx %arg12[%parallel_loop3A_274, %parallel_loop3A_260] : memref<32x1000xf32, #tpu.memory_space<vmem>>[vector<16xi32>, vector<16xi32>], vector<16xf32>,
        %parallel_loop3A_276 = arith.constant 0 : i32
        %parallel_loop3A_277 = arith.constant 0 : i32
        %parallel_loop3A_278 = arith.index_cast %parallel_loop3A_255 : i32 to index
        %parallel_loop3A_279 = arith.index_cast %parallel_loop3A_276 : i32 to index
        %parallel_loop3A_280 = arith.index_cast %parallel_loop3A_277 : i32 to index
        %parallel_loop3A_281 = arith.constant 16 : index
        %parallel_loop3A_282 = tpu.vector_load %arg14[%parallel_loop3A_278, %parallel_loop3A_279, %parallel_loop3A_280, %parallel_loop3A_281] {strides = array<i32>} : memref<125x1x8x32xf32, #tpu.memory_space<vmem>>, vector<16xf32>,
        tpu.vector_store %arg14[%parallel_loop3A_278, %parallel_loop3A_279, %parallel_loop3A_280, %parallel_loop3A_281], %parallel_loop3A_275 {strides = array<i32>} : memref<125x1x8x32xf32, #tpu.memory_space<vmem>>, vector<16xf32>,
        %parallel_loop3A_283 = arith.constant 1 : i32
        %parallel_loop3A_284 = arith.addi %parallel_loop3A_257, %parallel_loop3A_283 : i32
        %parallel_loop3A_285 = vector.broadcast %parallel_loop3A_284 : i32 to vector<16xi32>
        %parallel_loop3A_286 = arith.constant 0 : i32
        %parallel_loop3A_287 = vector.broadcast %parallel_loop3A_286 : i32 to vector<16xi32>
        %parallel_loop3A_288 = arith.addi %iota3A, %parallel_loop3A_287 : vector<16xi32>
        %parallel_loop3A_289 = tpu.vector_load_idx %arg12[%parallel_loop3A_288, %parallel_loop3A_285] : memref<32x1000xf32, #tpu.memory_space<vmem>>[vector<16xi32>, vector<16xi32>], vector<16xf32>,
        %parallel_loop3A_290 = arith.constant 0 : i32
        %parallel_loop3A_291 = arith.constant 1 : i32
        %parallel_loop3A_292 = arith.index_cast %parallel_loop3A_255 : i32 to index
        %parallel_loop3A_293 = arith.index_cast %parallel_loop3A_290 : i32 to index
        %parallel_loop3A_294 = arith.index_cast %parallel_loop3A_291 : i32 to index
        %parallel_loop3A_295 = arith.constant 0 : index
        %parallel_loop3A_296 = tpu.vector_load %arg14[%parallel_loop3A_292, %parallel_loop3A_293, %parallel_loop3A_294, %parallel_loop3A_295] {strides = array<i32>} : memref<125x1x8x32xf32, #tpu.memory_space<vmem>>, vector<16xf32>,
        tpu.vector_store %arg14[%parallel_loop3A_292, %parallel_loop3A_293, %parallel_loop3A_294, %parallel_loop3A_295], %parallel_loop3A_289 {strides = array<i32>} : memref<125x1x8x32xf32, #tpu.memory_space<vmem>>, vector<16xf32>,
        %parallel_loop3A_297 = arith.constant 16 : i32
        %parallel_loop3A_298 = vector.broadcast %parallel_loop3A_297 : i32 to vector<16xi32>
        %parallel_loop3A_299 = arith.addi %iota3A, %parallel_loop3A_298 : vector<16xi32>
        %parallel_loop3A_300 = tpu.vector_load_idx %arg12[%parallel_loop3A_299, %parallel_loop3A_285] : memref<32x1000xf32, #tpu.memory_space<vmem>>[vector<16xi32>, vector<16xi32>], vector<16xf32>,
        %parallel_loop3A_301 = arith.constant 0 : i32
        %parallel_loop3A_302 = arith.constant 1 : i32
        %parallel_loop3A_303 = arith.index_cast %parallel_loop3A_255 : i32 to index
        %parallel_loop3A_304 = arith.index_cast %parallel_loop3A_301 : i32 to index
        %parallel_loop3A_305 = arith.index_cast %parallel_loop3A_302 : i32 to index
        %parallel_loop3A_306 = arith.constant 16 : index
        %parallel_loop3A_307 = tpu.vector_load %arg14[%parallel_loop3A_303, %parallel_loop3A_304, %parallel_loop3A_305, %parallel_loop3A_306] {strides = array<i32>} : memref<125x1x8x32xf32, #tpu.memory_space<vmem>>, vector<16xf32>,
        tpu.vector_store %arg14[%parallel_loop3A_303, %parallel_loop3A_304, %parallel_loop3A_305, %parallel_loop3A_306], %parallel_loop3A_300 {strides = array<i32>} : memref<125x1x8x32xf32, #tpu.memory_space<vmem>>, vector<16xf32>,
        %parallel_loop3A_308 = arith.constant 2 : i32
        %parallel_loop3A_309 = arith.addi %parallel_loop3A_257, %parallel_loop3A_308 : i32
        %parallel_loop3A_310 = vector.broadcast %parallel_loop3A_309 : i32 to vector<16xi32>
        %parallel_loop3A_311 = arith.constant 0 : i32
        %parallel_loop3A_312 = vector.broadcast %parallel_loop3A_311 : i32 to vector<16xi32>
        %parallel_loop3A_313 = arith.addi %iota3A, %parallel_loop3A_312 : vector<16xi32>
        %parallel_loop3A_314 = tpu.vector_load_idx %arg12[%parallel_loop3A_313, %parallel_loop3A_310] : memref<32x1000xf32, #tpu.memory_space<vmem>>[vector<16xi32>, vector<16xi32>], vector<16xf32>,
        %parallel_loop3A_315 = arith.constant 0 : i32
        %parallel_loop3A_316 = arith.constant 2 : i32
        %parallel_loop3A_317 = arith.index_cast %parallel_loop3A_255 : i32 to index
        %parallel_loop3A_318 = arith.index_cast %parallel_loop3A_315 : i32 to index
        %parallel_loop3A_319 = arith.index_cast %parallel_loop3A_316 : i32 to index
        %parallel_loop3A_320 = arith.constant 0 : index
        %parallel_loop3A_321 = tpu.vector_load %arg14[%parallel_loop3A_317, %parallel_loop3A_318, %parallel_loop3A_319, %parallel_loop3A_320] {strides = array<i32>} : memref<125x1x8x32xf32, #tpu.memory_space<vmem>>, vector<16xf32>,
        tpu.vector_store %arg14[%parallel_loop3A_317, %parallel_loop3A_318, %parallel_loop3A_319, %parallel_loop3A_320], %parallel_loop3A_314 {strides = array<i32>} : memref<125x1x8x32xf32, #tpu.memory_space<vmem>>, vector<16xf32>,
        %parallel_loop3A_322 = arith.constant 16 : i32
        %parallel_loop3A_323 = vector.broadcast %parallel_loop3A_322 : i32 to vector<16xi32>
        %parallel_loop3A_324 = arith.addi %iota3A, %parallel_loop3A_323 : vector<16xi32>
        %parallel_loop3A_325 = tpu.vector_load_idx %arg12[%parallel_loop3A_324, %parallel_loop3A_310] : memref<32x1000xf32, #tpu.memory_space<vmem>>[vector<16xi32>, vector<16xi32>], vector<16xf32>,
        %parallel_loop3A_326 = arith.constant 0 : i32
        %parallel_loop3A_327 = arith.constant 2 : i32
        %parallel_loop3A_328 = arith.index_cast %parallel_loop3A_255 : i32 to index
        %parallel_loop3A_329 = arith.index_cast %parallel_loop3A_326 : i32 to index
        %parallel_loop3A_330 = arith.index_cast %parallel_loop3A_327 : i32 to index
        %parallel_loop3A_331 = arith.constant 16 : index
        %parallel_loop3A_332 = tpu.vector_load %arg14[%parallel_loop3A_328, %parallel_loop3A_329, %parallel_loop3A_330, %parallel_loop3A_331] {strides = array<i32>} : memref<125x1x8x32xf32, #tpu.memory_space<vmem>>, vector<16xf32>,
        tpu.vector_store %arg14[%parallel_loop3A_328, %parallel_loop3A_329, %parallel_loop3A_330, %parallel_loop3A_331], %parallel_loop3A_325 {strides = array<i32>} : memref<125x1x8x32xf32, #tpu.memory_space<vmem>>, vector<16xf32>,
        %parallel_loop3A_333 = arith.constant 3 : i32
        %parallel_loop3A_334 = arith.addi %parallel_loop3A_257, %parallel_loop3A_333 : i32
        %parallel_loop3A_335 = vector.broadcast %parallel_loop3A_334 : i32 to vector<16xi32>
        %parallel_loop3A_336 = arith.constant 0 : i32
        %parallel_loop3A_337 = vector.broadcast %parallel_loop3A_336 : i32 to vector<16xi32>
        %parallel_loop3A_338 = arith.addi %iota3A, %parallel_loop3A_337 : vector<16xi32>
        %parallel_loop3A_339 = tpu.vector_load_idx %arg12[%parallel_loop3A_338, %parallel_loop3A_335] : memref<32x1000xf32, #tpu.memory_space<vmem>>[vector<16xi32>, vector<16xi32>], vector<16xf32>,
        %parallel_loop3A_340 = arith.constant 0 : i32
        %parallel_loop3A_341 = arith.constant 3 : i32
        %parallel_loop3A_342 = arith.index_cast %parallel_loop3A_255 : i32 to index
        %parallel_loop3A_343 = arith.index_cast %parallel_loop3A_340 : i32 to index
        %parallel_loop3A_344 = arith.index_cast %parallel_loop3A_341 : i32 to index
        %parallel_loop3A_345 = arith.constant 0 : index
        %parallel_loop3A_346 = tpu.vector_load %arg14[%parallel_loop3A_342, %parallel_loop3A_343, %parallel_loop3A_344, %parallel_loop3A_345] {strides = array<i32>} : memref<125x1x8x32xf32, #tpu.memory_space<vmem>>, vector<16xf32>,
        tpu.vector_store %arg14[%parallel_loop3A_342, %parallel_loop3A_343, %parallel_loop3A_344, %parallel_loop3A_345], %parallel_loop3A_339 {strides = array<i32>} : memref<125x1x8x32xf32, #tpu.memory_space<vmem>>, vector<16xf32>,
        %parallel_loop3A_347 = arith.constant 16 : i32
        %parallel_loop3A_348 = vector.broadcast %parallel_loop3A_347 : i32 to vector<16xi32>
        %parallel_loop3A_349 = arith.addi %iota3A, %parallel_loop3A_348 : vector<16xi32>
        %parallel_loop3A_350 = tpu.vector_load_idx %arg12[%parallel_loop3A_349, %parallel_loop3A_335] : memref<32x1000xf32, #tpu.memory_space<vmem>>[vector<16xi32>, vector<16xi32>], vector<16xf32>,
        %parallel_loop3A_351 = arith.constant 0 : i32
        %parallel_loop3A_352 = arith.constant 3 : i32
        %parallel_loop3A_353 = arith.index_cast %parallel_loop3A_255 : i32 to index
        %parallel_loop3A_354 = arith.index_cast %parallel_loop3A_351 : i32 to index
        %parallel_loop3A_355 = arith.index_cast %parallel_loop3A_352 : i32 to index
        %parallel_loop3A_356 = arith.constant 16 : index
        %parallel_loop3A_357 = tpu.vector_load %arg14[%parallel_loop3A_353, %parallel_loop3A_354, %parallel_loop3A_355, %parallel_loop3A_356] {strides = array<i32>} : memref<125x1x8x32xf32, #tpu.memory_space<vmem>>, vector<16xf32>,
        tpu.vector_store %arg14[%parallel_loop3A_353, %parallel_loop3A_354, %parallel_loop3A_355, %parallel_loop3A_356], %parallel_loop3A_350 {strides = array<i32>} : memref<125x1x8x32xf32, #tpu.memory_space<vmem>>, vector<16xf32>,
        %parallel_loop3A_358 = arith.constant 4 : i32
        %parallel_loop3A_359 = arith.addi %parallel_loop3A_257, %parallel_loop3A_358 : i32
        %parallel_loop3A_360 = vector.broadcast %parallel_loop3A_359 : i32 to vector<16xi32>
        %parallel_loop3A_361 = arith.constant 0 : i32
        %parallel_loop3A_362 = vector.broadcast %parallel_loop3A_361 : i32 to vector<16xi32>
        %parallel_loop3A_363 = arith.addi %iota3A, %parallel_loop3A_362 : vector<16xi32>
        %parallel_loop3A_364 = tpu.vector_load_idx %arg12[%parallel_loop3A_363, %parallel_loop3A_360] : memref<32x1000xf32, #tpu.memory_space<vmem>>[vector<16xi32>, vector<16xi32>], vector<16xf32>,
        %parallel_loop3A_365 = arith.constant 0 : i32
        %parallel_loop3A_366 = arith.constant 4 : i32
        %parallel_loop3A_367 = arith.index_cast %parallel_loop3A_255 : i32 to index
        %parallel_loop3A_368 = arith.index_cast %parallel_loop3A_365 : i32 to index
        %parallel_loop3A_369 = arith.index_cast %parallel_loop3A_366 : i32 to index
        %parallel_loop3A_370 = arith.constant 0 : index
        %parallel_loop3A_371 = tpu.vector_load %arg14[%parallel_loop3A_367, %parallel_loop3A_368, %parallel_loop3A_369, %parallel_loop3A_370] {strides = array<i32>} : memref<125x1x8x32xf32, #tpu.memory_space<vmem>>, vector<16xf32>,
        tpu.vector_store %arg14[%parallel_loop3A_367, %parallel_loop3A_368, %parallel_loop3A_369, %parallel_loop3A_370], %parallel_loop3A_364 {strides = array<i32>} : memref<125x1x8x32xf32, #tpu.memory_space<vmem>>, vector<16xf32>,
        %parallel_loop3A_372 = arith.constant 16 : i32
        %parallel_loop3A_373 = vector.broadcast %parallel_loop3A_372 : i32 to vector<16xi32>
        %parallel_loop3A_374 = arith.addi %iota3A, %parallel_loop3A_373 : vector<16xi32>
        %parallel_loop3A_375 = tpu.vector_load_idx %arg12[%parallel_loop3A_374, %parallel_loop3A_360] : memref<32x1000xf32, #tpu.memory_space<vmem>>[vector<16xi32>, vector<16xi32>], vector<16xf32>,
        %parallel_loop3A_376 = arith.constant 0 : i32
        %parallel_loop3A_377 = arith.constant 4 : i32
        %parallel_loop3A_378 = arith.index_cast %parallel_loop3A_255 : i32 to index
        %parallel_loop3A_379 = arith.index_cast %parallel_loop3A_376 : i32 to index
        %parallel_loop3A_380 = arith.index_cast %parallel_loop3A_377 : i32 to index
        %parallel_loop3A_381 = arith.constant 16 : index
        %parallel_loop3A_382 = tpu.vector_load %arg14[%parallel_loop3A_378, %parallel_loop3A_379, %parallel_loop3A_380, %parallel_loop3A_381] {strides = array<i32>} : memref<125x1x8x32xf32, #tpu.memory_space<vmem>>, vector<16xf32>,
        tpu.vector_store %arg14[%parallel_loop3A_378, %parallel_loop3A_379, %parallel_loop3A_380, %parallel_loop3A_381], %parallel_loop3A_375 {strides = array<i32>} : memref<125x1x8x32xf32, #tpu.memory_space<vmem>>, vector<16xf32>,
        %parallel_loop3A_383 = arith.constant 5 : i32
        %parallel_loop3A_384 = arith.addi %parallel_loop3A_257, %parallel_loop3A_383 : i32
        %parallel_loop3A_385 = vector.broadcast %parallel_loop3A_384 : i32 to vector<16xi32>
        %parallel_loop3A_386 = arith.constant 0 : i32
        %parallel_loop3A_387 = vector.broadcast %parallel_loop3A_386 : i32 to vector<16xi32>
        %parallel_loop3A_388 = arith.addi %iota3A, %parallel_loop3A_387 : vector<16xi32>
        %parallel_loop3A_389 = tpu.vector_load_idx %arg12[%parallel_loop3A_388, %parallel_loop3A_385] : memref<32x1000xf32, #tpu.memory_space<vmem>>[vector<16xi32>, vector<16xi32>], vector<16xf32>,
        %parallel_loop3A_390 = arith.constant 0 : i32
        %parallel_loop3A_391 = arith.constant 5 : i32
        %parallel_loop3A_392 = arith.index_cast %parallel_loop3A_255 : i32 to index
        %parallel_loop3A_393 = arith.index_cast %parallel_loop3A_390 : i32 to index
        %parallel_loop3A_394 = arith.index_cast %parallel_loop3A_391 : i32 to index
        %parallel_loop3A_395 = arith.constant 0 : index
        %parallel_loop3A_396 = tpu.vector_load %arg14[%parallel_loop3A_392, %parallel_loop3A_393, %parallel_loop3A_394, %parallel_loop3A_395] {strides = array<i32>} : memref<125x1x8x32xf32, #tpu.memory_space<vmem>>, vector<16xf32>,
        tpu.vector_store %arg14[%parallel_loop3A_392, %parallel_loop3A_393, %parallel_loop3A_394, %parallel_loop3A_395], %parallel_loop3A_389 {strides = array<i32>} : memref<125x1x8x32xf32, #tpu.memory_space<vmem>>, vector<16xf32>,
        %parallel_loop3A_397 = arith.constant 16 : i32
        %parallel_loop3A_398 = vector.broadcast %parallel_loop3A_397 : i32 to vector<16xi32>
        %parallel_loop3A_399 = arith.addi %iota3A, %parallel_loop3A_398 : vector<16xi32>
        %parallel_loop3A_400 = tpu.vector_load_idx %arg12[%parallel_loop3A_399, %parallel_loop3A_385] : memref<32x1000xf32, #tpu.memory_space<vmem>>[vector<16xi32>, vector<16xi32>], vector<16xf32>,
        %parallel_loop3A_401 = arith.constant 0 : i32
        %parallel_loop3A_402 = arith.constant 5 : i32
        %parallel_loop3A_403 = arith.index_cast %parallel_loop3A_255 : i32 to index
        %parallel_loop3A_404 = arith.index_cast %parallel_loop3A_401 : i32 to index
        %parallel_loop3A_405 = arith.index_cast %parallel_loop3A_402 : i32 to index
        %parallel_loop3A_406 = arith.constant 16 : index
        %parallel_loop3A_407 = tpu.vector_load %arg14[%parallel_loop3A_403, %parallel_loop3A_404, %parallel_loop3A_405, %parallel_loop3A_406] {strides = array<i32>} : memref<125x1x8x32xf32, #tpu.memory_space<vmem>>, vector<16xf32>,
        tpu.vector_store %arg14[%parallel_loop3A_403, %parallel_loop3A_404, %parallel_loop3A_405, %parallel_loop3A_406], %parallel_loop3A_400 {strides = array<i32>} : memref<125x1x8x32xf32, #tpu.memory_space<vmem>>, vector<16xf32>,
        %parallel_loop3A_408 = arith.constant 6 : i32
        %parallel_loop3A_409 = arith.addi %parallel_loop3A_257, %parallel_loop3A_408 : i32
        %parallel_loop3A_410 = vector.broadcast %parallel_loop3A_409 : i32 to vector<16xi32>
        %parallel_loop3A_411 = arith.constant 0 : i32
        %parallel_loop3A_412 = vector.broadcast %parallel_loop3A_411 : i32 to vector<16xi32>
        %parallel_loop3A_413 = arith.addi %iota3A, %parallel_loop3A_412 : vector<16xi32>
        %parallel_loop3A_414 = tpu.vector_load_idx %arg12[%parallel_loop3A_413, %parallel_loop3A_410] : memref<32x1000xf32, #tpu.memory_space<vmem>>[vector<16xi32>, vector<16xi32>], vector<16xf32>,
        %parallel_loop3A_415 = arith.constant 0 : i32
        %parallel_loop3A_416 = arith.constant 6 : i32
        %parallel_loop3A_417 = arith.index_cast %parallel_loop3A_255 : i32 to index
        %parallel_loop3A_418 = arith.index_cast %parallel_loop3A_415 : i32 to index
        %parallel_loop3A_419 = arith.index_cast %parallel_loop3A_416 : i32 to index
        %parallel_loop3A_420 = arith.constant 0 : index
        %parallel_loop3A_421 = tpu.vector_load %arg14[%parallel_loop3A_417, %parallel_loop3A_418, %parallel_loop3A_419, %parallel_loop3A_420] {strides = array<i32>} : memref<125x1x8x32xf32, #tpu.memory_space<vmem>>, vector<16xf32>,
        tpu.vector_store %arg14[%parallel_loop3A_417, %parallel_loop3A_418, %parallel_loop3A_419, %parallel_loop3A_420], %parallel_loop3A_414 {strides = array<i32>} : memref<125x1x8x32xf32, #tpu.memory_space<vmem>>, vector<16xf32>,
        %parallel_loop3A_422 = arith.constant 16 : i32
        %parallel_loop3A_423 = vector.broadcast %parallel_loop3A_422 : i32 to vector<16xi32>
        %parallel_loop3A_424 = arith.addi %iota3A, %parallel_loop3A_423 : vector<16xi32>
        %parallel_loop3A_425 = tpu.vector_load_idx %arg12[%parallel_loop3A_424, %parallel_loop3A_410] : memref<32x1000xf32, #tpu.memory_space<vmem>>[vector<16xi32>, vector<16xi32>], vector<16xf32>,
        %parallel_loop3A_426 = arith.constant 0 : i32
        %parallel_loop3A_427 = arith.constant 6 : i32
        %parallel_loop3A_428 = arith.index_cast %parallel_loop3A_255 : i32 to index
        %parallel_loop3A_429 = arith.index_cast %parallel_loop3A_426 : i32 to index
        %parallel_loop3A_430 = arith.index_cast %parallel_loop3A_427 : i32 to index
        %parallel_loop3A_431 = arith.constant 16 : index
        %parallel_loop3A_432 = tpu.vector_load %arg14[%parallel_loop3A_428, %parallel_loop3A_429, %parallel_loop3A_430, %parallel_loop3A_431] {strides = array<i32>} : memref<125x1x8x32xf32, #tpu.memory_space<vmem>>, vector<16xf32>,
        tpu.vector_store %arg14[%parallel_loop3A_428, %parallel_loop3A_429, %parallel_loop3A_430, %parallel_loop3A_431], %parallel_loop3A_425 {strides = array<i32>} : memref<125x1x8x32xf32, #tpu.memory_space<vmem>>, vector<16xf32>,
        %parallel_loop3A_433 = arith.constant 7 : i32
        %parallel_loop3A_434 = arith.addi %parallel_loop3A_257, %parallel_loop3A_433 : i32
        %parallel_loop3A_435 = vector.broadcast %parallel_loop3A_434 : i32 to vector<16xi32>
        %parallel_loop3A_436 = arith.constant 0 : i32
        %parallel_loop3A_437 = vector.broadcast %parallel_loop3A_436 : i32 to vector<16xi32>
        %parallel_loop3A_438 = arith.addi %iota3A, %parallel_loop3A_437 : vector<16xi32>
        %parallel_loop3A_439 = tpu.vector_load_idx %arg12[%parallel_loop3A_438, %parallel_loop3A_435] : memref<32x1000xf32, #tpu.memory_space<vmem>>[vector<16xi32>, vector<16xi32>], vector<16xf32>,
        %parallel_loop3A_440 = arith.constant 0 : i32
        %parallel_loop3A_441 = arith.constant 7 : i32
        %parallel_loop3A_442 = arith.index_cast %parallel_loop3A_255 : i32 to index
        %parallel_loop3A_443 = arith.index_cast %parallel_loop3A_440 : i32 to index
        %parallel_loop3A_444 = arith.index_cast %parallel_loop3A_441 : i32 to index
        %parallel_loop3A_445 = arith.constant 0 : index
        %parallel_loop3A_446 = tpu.vector_load %arg14[%parallel_loop3A_442, %parallel_loop3A_443, %parallel_loop3A_444, %parallel_loop3A_445] {strides = array<i32>} : memref<125x1x8x32xf32, #tpu.memory_space<vmem>>, vector<16xf32>,
        tpu.vector_store %arg14[%parallel_loop3A_442, %parallel_loop3A_443, %parallel_loop3A_444, %parallel_loop3A_445], %parallel_loop3A_439 {strides = array<i32>} : memref<125x1x8x32xf32, #tpu.memory_space<vmem>>, vector<16xf32>,
        %parallel_loop3A_447 = arith.constant 16 : i32
        %parallel_loop3A_448 = vector.broadcast %parallel_loop3A_447 : i32 to vector<16xi32>
        %parallel_loop3A_449 = arith.addi %iota3A, %parallel_loop3A_448 : vector<16xi32>
        %parallel_loop3A_450 = tpu.vector_load_idx %arg12[%parallel_loop3A_449, %parallel_loop3A_435] : memref<32x1000xf32, #tpu.memory_space<vmem>>[vector<16xi32>, vector<16xi32>], vector<16xf32>,
        %parallel_loop3A_451 = arith.constant 0 : i32
        %parallel_loop3A_452 = arith.constant 7 : i32
        %parallel_loop3A_453 = arith.index_cast %parallel_loop3A_255 : i32 to index
        %parallel_loop3A_454 = arith.index_cast %parallel_loop3A_451 : i32 to index
        %parallel_loop3A_455 = arith.index_cast %parallel_loop3A_452 : i32 to index
        %parallel_loop3A_456 = arith.constant 16 : index
        %parallel_loop3A_457 = tpu.vector_load %arg14[%parallel_loop3A_453, %parallel_loop3A_454, %parallel_loop3A_455, %parallel_loop3A_456] {strides = array<i32>} : memref<125x1x8x32xf32, #tpu.memory_space<vmem>>, vector<16xf32>,
        tpu.vector_store %arg14[%parallel_loop3A_453, %parallel_loop3A_454, %parallel_loop3A_455, %parallel_loop3A_456], %parallel_loop3A_450 {strides = array<i32>} : memref<125x1x8x32xf32, #tpu.memory_space<vmem>>, vector<16xf32>,
      } {sc.loop_unroll_factor = 1 : i64, sc.parallel_access}
      %add3A_168 = arith.addi %mul3A_4, %add3A_149 : i32
      %jit3A_169 = arith.constant 4 : i32
      %div3A_170 = arith.divsi %add3A_168, %jit3A_169 : i32
      %sign3A_171 = arith.constant 0 : i32
      %sign3A_172 = arith.cmpi sgt, %add3A_168, %sign3A_171 : i32
      %sign3A_173 = arith.extui %sign3A_172 : i1 to i32
      %sign3A_174 = arith.constant 0 : i32
      %sign3A_175 = arith.cmpi slt, %add3A_168, %sign3A_174 : i32
      %sign3A_176 = arith.extui %sign3A_175 : i1 to i32
      %sign3A_177 = arith.subi %sign3A_173, %sign3A_176 : i32
      %sign3A_178 = arith.constant 0 : i32
      %sign3A_179 = arith.cmpi sgt, %jit3A_169, %sign3A_178 : i32
      %sign3A_180 = arith.extui %sign3A_179 : i1 to i32
      %sign3A_181 = arith.constant 0 : i32
      %sign3A_182 = arith.cmpi slt, %jit3A_169, %sign3A_181 : i32
      %sign3A_183 = arith.extui %sign3A_182 : i1 to i32
      %sign3A_184 = arith.subi %sign3A_180, %sign3A_183 : i32
      %ne3A_185 = arith.cmpi ne, %sign3A_177, %sign3A_184 : i32
      %rem3A_186 = arith.remsi %add3A_168, %jit3A_169 : i32
      %ne3A_187 = arith.constant 0 : i32
      %ne3A_188 = arith.cmpi ne, %rem3A_186, %ne3A_187 : i32
      %and3A_189 = arith.andi %ne3A_185, %ne3A_188 : i1
      %sub3A_190 = arith.constant 1 : i32
      %sub3A_191 = arith.subi %div3A_170, %sub3A_190 : i32
      %select_n3A_192 = arith.select %and3A_189, %sub3A_191, %div3A_170 : i32
      %jit3A_193 = arith.constant 4 : i32
      %eq3A_194 = arith.constant 0 : i32
      %eq3A_195 = arith.cmpi eq, %jit3A_193, %eq3A_194 : i32
      %jit3A_196 = arith.constant 1 : i32
      %select_n3A_197 = arith.select %eq3A_195, %jit3A_196, %jit3A_193 : i32
      %rem3A_198 = arith.remsi %add3A_168, %select_n3A_197 : i32
      %ne3A_199 = arith.constant 0 : i32
      %ne3A_200 = arith.cmpi ne, %rem3A_198, %ne3A_199 : i32
      %lt3A_201 = arith.constant 0 : i32
      %lt3A_202 = arith.cmpi slt, %rem3A_198, %lt3A_201 : i32
      %lt3A_203 = arith.constant 0 : i32
      %lt3A_204 = arith.cmpi slt, %select_n3A_197, %lt3A_203 : i32
      %ne3A_205 = arith.xori %lt3A_202, %lt3A_204 : i1
      %and3A_206 = arith.andi %ne3A_205, %ne3A_200 : i1
      %add3A_207 = arith.addi %rem3A_198, %select_n3A_197 : i32
      %select_n3A_208 = arith.select %and3A_206, %add3A_207, %rem3A_198 : i32
      %mul3A_209 = arith.constant 32 : i32
      %mul3A_210 = arith.muli %select_n3A_208, %mul3A_209 : i32
      %multiple_of3A_211 = tpu.assume_multiple %mul3A_210, 8 : i32
      %dma_start3A_212 = arith.constant 0 : i32
      %dma_start3A_213 = arith.constant 0 : i32
      %dma_start3A_214 = tpu.memref_slice %arg5[%dma_start3A_212, %select_n3A_192, %dma_start3A_213, %multiple_of3A_211] : memref<125x400x8x128xf32, #tpu.memory_space<hbm>> -> memref<125x1x8x32xf32, #tpu.memory_space<hbm>>
      %dma_start3A_215 = arith.constant 0 : i32
      %dma_start3A_216 = arith.constant 0 : i32
      %dma_start3A_217 = tpu.memref_slice %arg5[%dma_start3A_215, %select_n3A_192, %dma_start3A_216, %multiple_of3A_211] : memref<125x400x8x128xf32, #tpu.memory_space<hbm>> -> memref<125x1x8x32xf32, #tpu.memory_space<hbm>>
      tpu.enqueue_dma source(%arg14 : memref<125x1x8x32xf32, #tpu.memory_space<vmem>>) target(%dma_start3A_217 : memref<125x1x8x32xf32, #tpu.memory_space<hbm>>) target_semaphore(%arg19 : memref<!tpu.dma_semaphore, #tpu.memory_space<semaphore_mem>>)
      %mul3A_218 = arith.constant 32 : i32
      %mul3A_219 = arith.muli %add3A_149, %mul3A_218 : i32
      %multiple_of3A_220 = tpu.assume_multiple %mul3A_219, 8 : i32
      %add3A_221 = arith.constant 0 : i32
      %add3A_222 = arith.addi %multiple_of3A_220, %add3A_221 : i32
      %get3A_223 = arith.index_cast %add3A_222 : i32 to index
      %get3A_224 = tpu.vector_load %arg7[%get3A_223] {strides = array<i32>} : memref<1600xi32, #tpu.memory_space<vmem>>, vector<16xi32>,
      %shift_right_arithmetic3A_225 = arith.constant 10 : i32
      %shift_right_arithmetic3A_226 = vector.broadcast %shift_right_arithmetic3A_225 : i32 to vector<16xi32>
      %shift_right_arithmetic3A_227 = arith.shrsi %get3A_224, %shift_right_arithmetic3A_226 : vector<16xi32>
      %and3A_228 = arith.constant 1023 : i32
      %and3A_229 = vector.broadcast %and3A_228 : i32 to vector<16xi32>
      %and3A_230 = arith.andi %get3A_224, %and3A_229 : vector<16xi32>
      %add3A_231 = arith.constant 0 : i32
      %add3A_232 = vector.broadcast %add3A_231 : i32 to vector<16xi32>
      %add3A_233 = arith.addi %iota3A, %add3A_232 : vector<16xi32>
      %gather3A_234 = tpu.vector_load_idx %arg12[%add3A_233, %and3A_230] : memref<32x1000xf32, #tpu.memory_space<vmem>>[vector<16xi32>, vector<16xi32>], vector<16xf32>,
      %gather3A_235 = tpu.vector_load_idx %arg10[%shift_right_arithmetic3A_227] : memref<1000xf32, #tpu.memory_space<vmem>>[vector<16xi32>], vector<16xf32>,
      %sub3A_236 = arith.subf %gather3A_235, %gather3A_234 : vector<16xf32>
      %add3A_237 = arith.addf %add3A_145, %sub3A_236 : vector<16xf32>
      %add3A_238 = arith.constant 16 : i32
      %add3A_239 = arith.addi %multiple_of3A_220, %add3A_238 : i32
      %get3A_240 = arith.index_cast %add3A_239 : i32 to index
      %get3A_241 = tpu.vector_load %arg7[%get3A_240] {strides = array<i32>} : memref<1600xi32, #tpu.memory_space<vmem>>, vector<16xi32>,
      %shift_right_arithmetic3A_242 = arith.constant 10 : i32
      %shift_right_arithmetic3A_243 = vector.broadcast %shift_right_arithmetic3A_242 : i32 to vector<16xi32>
      %shift_right_arithmetic3A_244 = arith.shrsi %get3A_241, %shift_right_arithmetic3A_243 : vector<16xi32>
      %and3A_245 = arith.constant 1023 : i32
      %and3A_246 = vector.broadcast %and3A_245 : i32 to vector<16xi32>
      %and3A_247 = arith.andi %get3A_241, %and3A_246 : vector<16xi32>
      %add3A_248 = arith.constant 16 : i32
      %add3A_249 = vector.broadcast %add3A_248 : i32 to vector<16xi32>
      %add3A_250 = arith.addi %iota3A, %add3A_249 : vector<16xi32>
      %gather3A_251 = tpu.vector_load_idx %arg12[%add3A_250, %and3A_247] : memref<32x1000xf32, #tpu.memory_space<vmem>>[vector<16xi32>, vector<16xi32>], vector<16xf32>,
      %gather3A_252 = tpu.vector_load_idx %arg10[%shift_right_arithmetic3A_244] : memref<1000xf32, #tpu.memory_space<vmem>>[vector<16xi32>], vector<16xf32>,
      %sub3A_253 = arith.subf %gather3A_252, %gather3A_251 : vector<16xf32>
      %add3A_254 = arith.addf %add3A_237, %sub3A_253 : vector<16xf32>
      scf.yield %add3A_254 : vector<16xf32>
    }
    %scan3A_28 = arith.constant 25 : i32
    %dma_wait3A = arith.constant 0 : i32
    %dma_wait3A_29 = arith.constant 0 : i32
    %dma_wait3A_30 = arith.constant 0 : i32
    %dma_wait3A_31 = arith.constant 0 : i32
    %dma_wait3A_32 = tpu.memref_slice %arg5[%dma_wait3A, %dma_wait3A_29, %dma_wait3A_30, %dma_wait3A_31] : memref<125x400x8x128xf32, #tpu.memory_space<hbm>> -> memref<125x1x8x32xf32, #tpu.memory_space<hbm>>
    %dma_wait3A_33 = arith.constant 0 : i32
    %dma_wait3A_34 = arith.constant 0 : i32
    %dma_wait3A_35 = arith.constant 0 : i32
    %dma_wait3A_36 = arith.constant 0 : i32
    %dma_wait3A_37 = tpu.memref_slice %arg5[%dma_wait3A_33, %dma_wait3A_34, %dma_wait3A_35, %dma_wait3A_36] : memref<125x400x8x128xf32, #tpu.memory_space<hbm>> -> memref<125x1x8x32xf32, #tpu.memory_space<hbm>>
    tpu.wait_dma2 semaphore(%arg18 : memref<!tpu.dma_semaphore, #tpu.memory_space<semaphore_mem>>) src(%arg13 : memref<125x1x8x32xf32, #tpu.memory_space<vmem>>) dst(%dma_wait3A_37 : memref<125x1x8x32xf32, #tpu.memory_space<hbm>>)
    %dma_wait3A_38 = arith.constant 0 : i32
    %dma_wait3A_39 = arith.constant 0 : i32
    %dma_wait3A_40 = arith.constant 0 : i32
    %dma_wait3A_41 = arith.constant 0 : i32
    %dma_wait3A_42 = tpu.memref_slice %arg5[%dma_wait3A_38, %dma_wait3A_39, %dma_wait3A_40, %dma_wait3A_41] : memref<125x400x8x128xf32, #tpu.memory_space<hbm>> -> memref<125x1x8x32xf32, #tpu.memory_space<hbm>>
    %dma_wait3A_43 = arith.constant 0 : i32
    %dma_wait3A_44 = arith.constant 0 : i32
    %dma_wait3A_45 = arith.constant 0 : i32
    %dma_wait3A_46 = arith.constant 0 : i32
    %dma_wait3A_47 = tpu.memref_slice %arg5[%dma_wait3A_43, %dma_wait3A_44, %dma_wait3A_45, %dma_wait3A_46] : memref<125x400x8x128xf32, #tpu.memory_space<hbm>> -> memref<125x1x8x32xf32, #tpu.memory_space<hbm>>
    tpu.wait_dma2 semaphore(%arg19 : memref<!tpu.dma_semaphore, #tpu.memory_space<semaphore_mem>>) src(%arg14 : memref<125x1x8x32xf32, #tpu.memory_space<vmem>>) dst(%dma_wait3A_47 : memref<125x1x8x32xf32, #tpu.memory_space<hbm>>)
    %swap3A_48 = arith.constant 0 : index
    %swap3A_49 = tpu.vector_load %arg15[%swap3A_48] {strides = array<i32>} : memref<16xf32, #tpu.memory_space<vmem>>, vector<16xf32>,
    tpu.vector_store %arg15[%swap3A_48], %scan3A_27 {strides = array<i32>} : memref<16xf32, #tpu.memory_space<vmem>>, vector<16xf32>,
    "tpu.region"() ({
      %run_scoped3A = tpu.sem_alloc : memref<!tpu.dma_semaphore, #tpu.memory_space<semaphore_mem>>
      %dma_start3A_50 = arith.constant 0 : i32
      %dma_start3A_51 = tpu.memref_slice %arg6[%add3A, %dma_start3A_50] : memref<32x16xf32, #tpu.memory_space<hbm>> -> memref<1x16xf32, #tpu.memory_space<hbm>>
      %dma_start3A_52 = tpu.memref_squeeze %dma_start3A_51 : memref<1x16xf32, #tpu.memory_space<hbm>> -> memref<16xf32, #tpu.memory_space<hbm>>
      %dma_start3A_53 = arith.constant 0 : i32
      %dma_start3A_54 = tpu.memref_slice %arg6[%add3A, %dma_start3A_53] : memref<32x16xf32, #tpu.memory_space<hbm>> -> memref<1x16xf32, #tpu.memory_space<hbm>>
      %dma_start3A_55 = tpu.memref_squeeze %dma_start3A_54 : memref<1x16xf32, #tpu.memory_space<hbm>> -> memref<16xf32, #tpu.memory_space<hbm>>
      tpu.enqueue_dma source(%arg15 : memref<16xf32, #tpu.memory_space<vmem>>) target(%dma_start3A_55 : memref<16xf32, #tpu.memory_space<hbm>>) target_semaphore(%run_scoped3A : memref<!tpu.dma_semaphore, #tpu.memory_space<semaphore_mem>>)
      %dma_wait3A_56 = arith.constant 0 : i32
      %dma_wait3A_57 = tpu.memref_slice %arg6[%add3A, %dma_wait3A_56] : memref<32x16xf32, #tpu.memory_space<hbm>> -> memref<1x16xf32, #tpu.memory_space<hbm>>
      %dma_wait3A_58 = tpu.memref_squeeze %dma_wait3A_57 : memref<1x16xf32, #tpu.memory_space<hbm>> -> memref<16xf32, #tpu.memory_space<hbm>>
      %dma_wait3A_59 = arith.constant 0 : i32
      %dma_wait3A_60 = tpu.memref_slice %arg6[%add3A, %dma_wait3A_59] : memref<32x16xf32, #tpu.memory_space<hbm>> -> memref<1x16xf32, #tpu.memory_space<hbm>>
      %dma_wait3A_61 = tpu.memref_squeeze %dma_wait3A_60 : memref<1x16xf32, #tpu.memory_space<hbm>> -> memref<16xf32, #tpu.memory_space<hbm>>
      tpu.wait_dma2 semaphore(%run_scoped3A : memref<!tpu.dma_semaphore, #tpu.memory_space<semaphore_mem>>) src(%arg15 : memref<16xf32, #tpu.memory_space<vmem>>) dst(%dma_wait3A_61 : memref<16xf32, #tpu.memory_space<hbm>>)
      tpu.yield
    }) : () -> ()
    return
  }
}

module attributes {stable_mosaic.version = 14 : i64} {
  func.func @_lse_body(%arg0: memref<1000x1000xf32, #tpu.memory_space<vmem>>, %arg1: memref<1000x1xf32, #tpu.memory_space<vmem>>) attributes {dimension_semantics = [], scalar_prefetch = 0 : i64, scratch_operands = 0 : i64, tpu.core_type = #tpu.core_type<tc>} {
    %get3A = arith.constant 0 : index
    %get3A_0 = arith.constant 0 : index
    %get3A_1 = vector.load %arg0[%get3A, %get3A_0] : memref<1000x1000xf32, #tpu.memory_space<vmem>>, vector<1000x1000xf32>
    %reduce_max3A = arith.constant dense<0xFF800000> : vector<1000xf32>
    %reduce_max3A_2 = vector.multi_reduction <maximumf>, %get3A_1, %reduce_max3A [1] : vector<1000x1000xf32> to vector<1000xf32>
    %broadcast_in_dim3A = vector.shape_cast %reduce_max3A_2 : vector<1000xf32> to vector<1000x1xf32>
    %sub3A = vector.broadcast %broadcast_in_dim3A : vector<1000x1xf32> to vector<1000x1000xf32>
    %sub3A_3 = arith.subf %get3A_1, %sub3A : vector<1000x1000xf32>
    %exp3A = math.exp %sub3A_3 : vector<1000x1000xf32>
    %reduce_sum3A = arith.constant dense<0.000000e+00> : vector<1000xf32>
    %reduce_sum3A_4 = vector.multi_reduction <add>, %exp3A, %reduce_sum3A [1] : vector<1000x1000xf32> to vector<1000xf32>
    %broadcast_in_dim3A_5 = vector.shape_cast %reduce_sum3A_4 : vector<1000xf32> to vector<1000x1xf32>
    %log3A = math.log %broadcast_in_dim3A_5 : vector<1000x1xf32>
    %add3A = arith.addf %broadcast_in_dim3A, %log3A : vector<1000x1xf32>
    %swap3A = arith.constant 0 : index
    %swap3A_6 = arith.constant 0 : index
    %swap3A_7 = vector.load %arg1[%swap3A, %swap3A_6] : memref<1000x1xf32, #tpu.memory_space<vmem>>, vector<1000x1xf32>
    tpu.vector_store %arg1[%swap3A, %swap3A_6], %add3A {strides = array<i32>} : memref<1000x1xf32, #tpu.memory_space<vmem>>, vector<1000x1xf32>,
    return
  }
}

</mosaic_0001>

<sc_bundles>
// kernel: kernel.4.cloned.1.call-start
scs
__scs_entry_jumppad:
0x0: {  	(pc) =	sbr.rel $0x88, $3  }
0x1: {  	(tag) =	ssettag $0x0;
	lr =	simm.s32 $0x1  }
0x2: {  	[smem:$0x3F9E] =	sst lr;
	_ =	strace $0xD0000000  }
0x3: {  	_ = 	snop  }
0x4: {  	_ = 	snop  }
0x5: {  	_ = 	snop  }
0x6: {  	_ = 	snop  }
0x7: {  	_ = 	snop  }
__scs_overlays_trampoline_lowered:
0x8: {  	[smem:$0x3FAD] =	sst s0  }
0x9: {  	[smem:$0x3FAE] =	sst s1  }
0xa: {  	[smem:$0x3FAF] =	sst s2  }
0xb: {  	[smem:$0x3FB0] =	sst s3  }
0xc: {  	[smem:$0x3FB1] =	sst s4  }
0xd: {  	[smem:$0x3FB2] =	sst s5  }
0xe: {  	[smem:$0x3FB3] =	sst s6  }
0xf: {  	[smem:$0x3FB4] =	sst s7  }
0x10: {  	[smem:$0x3FB5] =	sst s8  }
0x11: {  	[smem:$0x3FB6] =	sst s9;
	s0 =	simm.s32 @!p0 $0x0  }
0x12: {  	s1 =	sld [smem:$0x3F9C];
	s0 =	simm.s32 @p0 $0x1  }
0x13: {  	[smem:$0x3FB7] =	sst s0;
	s0 =	simm.s32 @!p1 $0x0  }
0x14: {  	s2 =	sld [smem:$0x3F9B];
	s0 =	simm.s32 @p1 $0x1  }
0x15: {  	[smem:$0x3FB8] =	sst s0;
	s0 =	simm.s32 @!p2 $0x0  }
0x16: {  	s3 =	sld [smem:$0x3FDB];
	s0 =	simm.s32 @p2 $0x1  }
0x17: {  	s4 =	simm.s32 $0x1BF5;
	[smem:$0x3FBA] =	sst s0  }
0x18: {  	s0 =	sld [smem:$0x3F9D];
	_ =	swait.ge [sflag:s4], $0x0  }
0x19: {  	s7 =	sld [smem:$0x3F9E]  }
0x1a: {  	s8 =	sadd.s32 $0xFFFFE003, lr  }
0x1b: {  	s9 =	sadd.s32 $0xFFFFFEF7, lr;
	s5 =	simm.s32 $0xFFFFFFFF;
	p2 =	slt.u32 s8, $0xFFFFF086  }
0x1c: {  	p1 =	slt.u32 s9, $0xF7A;
	s5 =	simm.s32 @!p2 $0x0  }
0x1d: {  	s5 =	simm.s32 @p1 $0x1;
	p0 =	seq.s32 s7, s2  }
0x1e: {  	s7 =	smul.u32 @!p0 $0xF7A, s2;
	p2 =	seq.s32 @!p0 s5, $0x0  }
0x1f: {  	s9 =	smul.u32 $0xF7A, s1;
	s8 =	simm.s32 @!p0 $0x1BF5;
	p2 =	por !p2, p0  }
0x20: {  	[sflag:s8] =	ssyncset.s32 @!p0 $0xFFFFF086;
	s6 =	sadd.s32 @!p0 s3, s7;
	s7 =	simm.s32 @!p0 $0x108  }
0x21: {  	s3 =	sadd.s32 s3, s9;
	s6 =	sadd.s32 @!p0 $0x88, s6;
	s7 =	simm.s32 @p2 $0x1082  }
0x22: {  	[simem:s7], [sflag:s8] =	dma.local @!p0 [hbm:s6], $0xF7A  }
0x23: {  	s9 =	sor.u32 $0xD0000000, s2;
	s6 =	simm.s32 $0x108;
	_ =	swait.ge @!p0 [sflag:s8], $0x0  }
0x24: {  	s3 =	sadd.s32 $0x88, s3;
	s6 =	simm.s32 @!p1 $0x1082;
	[sflag:s4] =	ssyncset.s32 $0xFFFFF086  }
0x25: {  	[simem:s6], [sflag:s4] =	dma.local [hbm:s3], $0xF7A  }
0x26: {  	[smem:$0x3F9E] =	sst s1;
	(tag) =	ssettag s2;
	_ =	strace s9  }
0x27: {  	s1 =	sld [smem:$0x3FAE]  }
0x28: {  	s2 =	sld [smem:$0x3FAF]  }
0x29: {  	s4 =	sld [smem:$0x3FB1]  }
0x2a: {  	p0 =	seq.s32 s5, $0x0;
	s5 =	sld [smem:$0x3FB2]  }
0x2b: {  	s6 =	sld [smem:$0x3FB3]  }
0x2c: {  	s7 =	sld [smem:$0x3FB4]  }
0x2d: {  	s3 =	simm.s32 $0x108;
	s8 =	sld [smem:$0x3FB5]  }
0x2e: {  	s3 =	simm.s32 @!p0 $0x1082;
	s9 =	sld [smem:$0x3FB6]  }
0x2f: {  	lr =	sadd.s32 s0, s3;
	s0 =	sld [smem:$0x3FAD]  }
0x30: {  	s3 =	sld [smem:$0x3FB0]  }
0x31: {  	[smem:$0x3FB9] =	sst s10  }
0x32: {  	s10 =	sld [smem:$0x3FB7];
	_ =	sdelay $0x3  }
0x33: {  	p0 =	seq.s32 s10, $0x1;
	s10 =	sld [smem:$0x3FB9];
	_ =	sdelay $0x3  }
0x34: {  	[smem:$0x3FB9] =	sst s10  }
0x35: {  	s10 =	sld [smem:$0x3FB8];
	_ =	sdelay $0x3  }
0x36: {  	p1 =	seq.s32 s10, $0x1;
	s10 =	sld [smem:$0x3FB9];
	_ =	sdelay $0x3  }
0x37: {  	[smem:$0x3FB9] =	sst s10  }
0x38: {  	s10 =	sld [smem:$0x3FBA]  }
0x39: {  	_ = 	snop;
	(pc) =	sbr.ind lr, $3  }
0x3a: {  	_ = 	snop  }
0x3b: {  	_ = 	snop  }
0x3c: {  	p2 =	seq.s32 s10, $0x1;
	s10 =	sld [smem:$0x3FB9]  }
0x3d: {  	_ =	shalt  }
0x3e: {  	_ =	shalt  }
0x3f: {  	_ =	shalt  }
0x40: {  	_ =	shalt  }
0x41: {  	_ =	shalt  }
0x42: {  	_ =	shalt  }
0x43: {  	_ =	shalt  }
0x44: {  	_ =	shalt  }
0x45: {  	_ =	shalt  }
0x46: {  	_ =	shalt  }
0x47: {  	_ =	shalt  }
0x48: {  	_ =	shalt  }
0x49: {  	_ =	shalt  }
0x4a: {  	_ =	shalt  }
0x4b: {  	_ =	shalt  }
0x4c: {  	_ =	shalt  }
0x4d: {  	_ =	shalt  }
0x4e: {  	_ =	shalt  }
0x4f: {  	_ =	shalt  }
0x50: {  	_ =	shalt  }
0x51: {  	_ =	shalt  }
0x52: {  	_ =	shalt  }
0x53: {  	_ =	shalt  }
0x54: {  	_ =	shalt  }
0x55: {  	_ =	shalt  }
0x56: {  	_ =	shalt  }
0x57: {  	_ =	shalt  }
0x58: {  	_ =	shalt  }
0x59: {  	_ =	shalt  }
0x5a: {  	_ =	shalt  }
0x5b: {  	_ =	shalt  }
0x5c: {  	_ =	shalt  }
0x5d: {  	_ =	shalt  }
0x5e: {  	_ =	shalt  }
0x5f: {  	_ =	shalt  }
0x60: {  	_ =	shalt  }
0x61: {  	_ =	shalt  }
0x62: {  	_ =	shalt  }
0x63: {  	_ =	shalt  }
0x64: {  	_ =	shalt  }
0x65: {  	_ =	shalt  }
0x66: {  	_ =	shalt  }
0x67: {  	_ =	shalt  }
0x68: {  	_ =	shalt  }
0x69: {  	_ =	shalt  }
0x6a: {  	_ =	shalt  }
0x6b: {  	_ =	shalt  }
0x6c: {  	_ =	shalt  }
0x6d: {  	_ =	shalt  }
0x6e: {  	_ =	shalt  }
0x6f: {  	_ =	shalt  }
0x70: {  	_ =	shalt  }
0x71: {  	_ =	shalt  }
0x72: {  	_ =	shalt  }
0x73: {  	_ =	shalt  }
0x74: {  	_ =	shalt  }
0x75: {  	_ =	shalt  }
0x76: {  	_ =	shalt  }
0x77: {  	_ =	shalt  }
0x78: {  	_ =	shalt  }
0x79: {  	_ =	shalt  }
0x7a: {  	_ =	shalt  }
0x7b: {  	_ =	shalt  }
0x7c: {  	_ =	shalt  }
0x7d: {  	_ =	shalt  }
0x7e: {  	_ =	shalt  }
0x7f: {  	_ =	shalt  }
0x80: {  	_ =	shalt  }
0x81: {  	_ =	shalt  }
0x82: {  	_ =	shalt  }
0x83: {  	_ =	shalt  }
0x84: {  	_ =	shalt  }
0x85: {  	_ =	shalt  }
0x86: {  	_ =	shalt  }
0x87: {  	_ =	shalt  }
.Lfunc_end0:
.L_simem_size_0:
called_computation_lowered:
.L_overlay_start_0:
0x88: {  	s2 =	sld [smem:$0x3FD9]  }
0x89: {  	s3 =	sld [smem:$0x3FFE];
	_ =	sdelay $0x1  }
0x8a: {  	s1 =	srdreg.scid  }
0x8b: {  	s0 =	sand.u32 $0x1, s1  }
0x8c: {  	s14 =	sshll.u32 s0, $0xA;
	s2 =	sadd.s32 s3, s2  }
0x8d: {  	s2 =	sadd.s32 s2, s14  }
0x8e: {  	[smem:$0x3FC5] =	sst s2  }
0x8f: {  	_ = 	snop  }
0x90: {  	s2 =	sld [smem:$0x3FD0];
	_ =	sdelay $0x2  }
0x91: {  	s15 =	simm.s32 $0xA;
	s4 =	simm.s32 $0x10  }
0x92: {  	[smem:s4], [sflag:s15] =	dma.local [hbm:s2], $0x1  }
0x93: {  	_ =	swait.eq [sflag:s15], $0x1  }
0x94: {  	[sflag:s15] =	ssyncset.done $0x0  }
0x95: {  	[sflag:s15] =	ssyncadd.s32 $0xFFFFFFFF  }
0x96: {  	s16 =	sld [smem:$0x10];
	(tm) =	ssettm $0x1  }
0x97: {  	s17 =	sld [smem:$0x3FFB];
	_ =	sdelay $0x3  }
0x98: {  	_ =	strace s17  }
0x99: {  	s3 =	sld [smem:$0x3FFC];
	_ =	sdelay $0x3  }
0x9a: {  	_ =	strace s3  }
0x9b: {  	s3 =	sld [smem:$0x3FFD];
	_ =	sdelay $0x3  }
0x9c: {  	_ =	strace s3  }
0x9d: {  	_ =	strace $0x8FFFFFFF  }
0x9e: {  	s18 =	sld [smem:$0x3FDB];
	_ =	sdelay $0x1  }
0x9f: {  	s19 =	simm.s32 $_scs_section_size  }
0xa0: {  	s5 =	simm.s32 $_size__tile_overlayer_lowered;
	s6 =	simm.s32 $_tile_overlayer_lowered  }
0xa1: {  	s22 =	simm.s32 $0x1BFF;
	s21 =	sshll.u32 s6, $0x1;
	s3 =	sadd.s32 s19, s18  }
0xa2: {  	s7 =	simm.s32 $0x0;
	s20 =	sshll.u32 s5, $0x1;
	s5 =	sadd.s32 s21, s3  }
0xa3: {  	[timem:s7], [sflag:s22] =	dma.local [hbm:s5], s20  }
0xa4: {  	_ =	swait.ge [sflag:s22], s20  }
0xa5: {  	s4 =	ssub.s32 $0x0, s20;
	[sflag:s22] =	ssyncset.done $0x0  }
0xa6: {  	[sflag:s22] =	ssyncadd.s32 s4;
	_ =	sdelay $0x1  }
0xa7: {  	s23 =	simm.s32 $0x1B8B  }
0xa8: {  	_ =	swait.ge [sflag:s23], $0x1  }
0xa9: {  	[sflag:s23] =	ssyncset.done $0x0  }
0xaa: {  	s25 =	simm.s32 $0x1B8E;
	s24 =	sld [smem:$0x3FFE];
	[sflag:s23] =	ssyncadd.s32 $0xFFFFFFFF  }
0xab: {  	s26 =	simm.s32 $execute0_lowered;
	[smem:$0x3FD2] =	sst s25  }
0xac: {  	s5 =	sshll.u32 s26, $0x1;
	_ =	strace $0x80000046;
	[dreg:$0x1] =	wrdreg $0xFFFFFFFF  }
0xad: {  	s28 =	simm.s32 $_size_execute0_lowered;
	s3 =	sadd.s32 s3, s5;
	[dreg:$0x0] =	wrdreg $0x0  }
0xae: {  	s5 =	sshll.u32 s28, $0x1;
	[dreg:$0x2] =	wrdreg s3  }
0xaf: {  	[dreg:$0x3] =	wrdreg s5  }
0xb0: {  	[dreg:$0x4] =	wrdreg $0xC0  }
0xb1: {  	_ =	task [dreg:s7], $0x5FFFF  }
0xb2: {  	[dreg:$0x1] =	wrdreg $0xFFFFFFFF  }
0xb3: {  	[dreg:$0x0] =	wrdreg $0x60  }
0xb4: {  	[dreg:$0x2] =	wrdreg s24  }
0xb5: {  	[dreg:$0x3] =	wrdreg s16  }
0xb6: {  	[dreg:$0x4] =	wrdreg $0x9  }
0xb7: {  	_ =	task.clear_ibuf [dreg:s7], $0x5FFFF;
	_ =	strace $0x90000046  }
0xb8: {  	s29 =	simm.s32 $0x9;
	_ =	strace $0x80000048  }
0xb9: {  	_ =	swait.ge [sflag:s29], $0x1  }
0xba: {  	[sflag:s29] =	ssyncadd.s32 $0xFFFFFFFF  }
0xbb: {  	_ =	strace $0x90000048  }
0xbc: {  	_ =	sfence  }
0xbd: {  	s30 =	sld [smem:$0x0];
	_ =	sdelay $0x2  }
0xbe: {  	s31 =	sshll.u32 s1, $0xD;
	s1 =	sshrl.u32 s1, $0x2  }
0xbf: {  	s3 =	sand.u32 $0x4000, s31;
	s1 =	sadd.s32 s1, s30  }
0xc0: {  	s0 =	sor.u32 s3, s0;
	s1 =	sshll.u32 s1, $0x11  }
0xc1: {  	s0 =	sor.u32 s1, s0  }
0xc2: {  	s0 =	sadd.s32 $0x8F2B, s0  }
0xc3: {  	[sflag:s0] =	ssyncadd.remote.s32 $0x1  }
0xc4: {  	_ =	sfence.sel $0xFFFF  }
0xc5: {  	[dreg:$0x0] =	wrdreg $0xFFFFFFFF;
	(pc) =	sbr.abs _section_cstart, $3  }
0xc6: {  	[dreg:$0x1] =	wrdreg $0xFFFFFFFF  }
0xc7: {  	_ =	task.clear_ibuf [dreg:s7], $0x2FFFF;
	_ =	strace $0x9FFFFFFF  }
0xc8: {  	(tm) =	ssettm $0x7FFFFFFF  }
0xc9: {  	_ =	shalt  }
tec
execute0_lowered:
.L_overlay_start_1:
0x0: {  	(tag) =	ssettag $0x1  }
0x1: {  	s0 =	rddreg [dreg:$0x0];
	s1 =	srdreg.scid  }
0x2: {  	s3 =	stileid.u32;
	s2 =	rddreg [dreg:$0x1];
	s10 =	simm.s32 $0x5  }
0x3: {  	s11 =	simm.s32 $0x680;
	s12 =	simm.s32 $0x20;
	s13 =	simm.s32 $0x640  }
0x4: {  	s14 =	simm.s32 $0xA68;
	s15 =	simm.s32 $0x660;
	s16 =	simm.s32 $0x8768  }
0x5: {  	s17 =	simm.s32 $0x1;
	s18 =	simm.s32 $0x80;
	s19 =	simm.s32 $0x2  }
0x6: {  	v0 =	vlaneseq.u32;
	s20 =	simm.s32 $0x4;
	s21 =	simm.s32 $0x3;
	s23 =	simm.s32 $0x0  }
0x7: {  	s1 =	sand.u32 $0x1, s1;
	s4 =	sshll.u32 s3, $0x1;
	s3 =	simm.s32 $0x0;
	v0 =	vmul.u32 $0x3E8, v0  }
0x8: {  	s9 =	sadd.s32 $0x20800, s0;
	s5 =	sor.u32 s1, s4;
	[smem:$0x7FF] =	sst s3  }
0x9: {  	s4 =	sadd.s32 $0x400, s0;
	s1 =	ssub.s32 $0x2, s1;
	s6 =	smul.u32 $0xC8, s5;
	v1 =	vadd.s32 $0x3E80, v0;
	v2 =	vor.u32 $0x1, v0;
	v3 =	vadd.s32 $0x3E81, v0  }
0xa: {  	_ =	strace $0x80000047;
	s30 =	sshll.u32 s5, $0x1;
	s8 =	sshrl.u32 s1, $0x1;
	v4 =	vor.u32 $0x2, v0;
	v5 =	vadd.s32 $0x3E82, v0;
	v6 =	vor.u32 $0x3, v0  }
0xb: {  	[dreg:$0x3] =	wrdreg s9;
	v7 =	vadd.s32 $0x3E83, v0;
	v8 =	vor.u32 $0x4, v0;
	v9 =	vadd.s32 $0x3E84, v0;
	s1 =	ssub.s32 s1, s8;
	s7 =	sadd.s32 s6, s0  }
0xc: {  	v10 =	vor.u32 $0x5, v0;
	v11 =	vadd.s32 $0x3E85, v0;
	v12 =	vor.u32 $0x6, v0;
	s0 =	sadd.s32 s30, s0;
	s6 =	smul.u32 $0x32, s5;
	s31 =	sadd.s32 $0x1EE00, s7  }
0xd: {  	v13 =	vadd.s32 $0x3E86, v0;
	v14 =	vor.u32 $0x7, v0;
	v15 =	vadd.s32 $0x3E87, v0;
	s9 =	smax.u32 s1, $0x1;
	s8 =	sadd.s32 $0x20A00, s0;
	[dreg:$0x4] =	wrdreg s31  }
.LBB2_1:
0xe: {  	s0 =	rddreg [dreg:$0x4]  }
0xf: {  	[tilespmem:s3], [sflag:$0x5] =	stream.linear.gather [hbm4b:s0+s3], $0x640, $0x38;
	[tilespmem:$0x1FE78] =	vst v63  }
0x10: {  	_ =	swait.ge [sflag:s10], $0x640  }
0x11: {  	[sflag:s10] =	ssyncset.done $0x0  }
0x12: {  	s31 =	rddreg [dreg:$0x3];
	[sflag:s10] =	ssyncadd.s32 $0xFFFFF9C0  }
0x13: {  	[tilespmem:s11], [sflag:$0x5] =	stream.linear.gather [hbm4b:s31+s3], $0x3E8, $0x38;
	[tilespmem:$0x1FE78] =	vst v63  }
0x14: {  	_ =	swait.ge [sflag:s10], $0x3E8  }
0x15: {  	[sflag:s10] =	ssyncset.done $0x0  }
0x16: {  	[sflag:s10] =	ssyncadd.s32 $0xFFFFFC18  }
0x17: {  	v16 =	vld [tilespmem:$0x0]  }
0x18: {  	v17 =	vld [tilespmem:$0x10];
	_ =	sdelay $0x3  }
0x19: {  	v16 =	vshra.s32 v16, $0xA  }
0x1a: {  	[tilespmem:$0x640] =	vst v16;
	v16 =	vshra.s32 v17, $0xA  }
0x1b: {  	s24 =	simm.s32 $0x0;
	[tilespmem:$0x650] =	vst v16  }
0x1c: {  	v16 =	vimm.f32 $0.0e+00;
	[tilespmem:s14], [sflag:$0x1] =	stream.indirect.gather [hbm4b:s4+s12], $0x3E8, s13, s12, $0xb8;
	[tilespmem:$0x1FE78] =	vst v63  }
.LBB2_2:
0x1d: {  	s26 =	sshllo.u32 s24, $0x1  }
0x1e: {  	s0 =	sshll.u32 s26, $0x5  }
0x1f: {  	s25 =	sand.u32 $0x3FFFFFE0, s0  }
0x20: {  	v17 =	vld [tilespmem:s25+$0x0];
	_ =	sdelay $0x4  }
0x21: {  	v17 =	vshra.s32 v17, $0xA  }
0x22: {  	[tilespmem:$0x660] =	vst v17  }
0x23: {  	v17 =	vld [tilespmem:s25+$0x10];
	_ =	sdelay $0x2  }
0x24: {  	s7 =	simm.s32 $0x0  }
0x25: {  	v18 =	vmov s7  }
0x26: {  	v18 =	vshrl.u32 v18, $0x3;
	v17 =	vshra.s32 v17, $0xA  }
0x27: {  	[tilespmem:$0x670] =	vst v17;
	v17 =	vshll.u32 v18, $0x3  }
0x28: {  	[tilespmem:s16], [sflag:$0x2] =	stream.indirect.gather [hbm4b:s4+s12], $0x3E8, s15, s12, $0xb8;
	v23 =	vbroadcast v17, $0x0;
	[tilespmem:$0x1FE78] =	vst v63  }
0x29: {  	_ =	swait.ge [sflag:s17], $0x7D00  }
0x2a: {  	p0 =	seq.s32 s24, $0x0;
	[sflag:s17] =	ssyncset.done $0x0;
	v17 =	vadd.s32 v0, v23  }
0x2b: {  	s0 =	simm.s32 @!p0 $0x3;
	[sflag:s17] =	ssyncadd.s32 $0xFFFF8300  }
0x2c: {  	_ =	swait.ge @!p0 [sflag:s0], $0x7D00  }
0x2d: {  	[sflag:s0] =	ssyncset.done @!p0 $0x0  }
0x2e: {  	[sflag:s0] =	ssyncadd.s32 @!p0 $0xFFFF8300  }
0x2f: {  	v17 =	vld.idx.msk [tilespmem:v17+s14+$0x0], $0xffff  }
0x30: {  	v18 =	vadd.s32 v1, v23;
	_ =	sdelay $0x1  }
0x31: {  	s1 =	simm.s32 $0x8  }
0x32: {  	v19 =	vmov s1;
	s0 =	simm.s32 $0x104E8  }
0x33: {  	[tilespmem:s0+$0xFFFFFF80] =	vst v17;
	v17 =	vshrl.u32 v19, $0x3  }
0x34: {  	v18 =	vld.idx.msk [tilespmem:v18+s14+$0x0], $0xffff;
	v17 =	vshll.u32 v17, $0x3  }
0x35: {  	v19 =	vbroadcast v17, $0x0;
	v17 =	vadd.s32 v2, v23;
	_ =	sdelay $0x1  }
0x36: {  	v20 =	vadd.s32 v0, v19;
	_ =	sdelay $0x1  }
0x37: {  	[tilespmem:s0+$0xFFFFFF90] =	vst v18  }
0x38: {  	v17 =	vld.idx.msk [tilespmem:v17+s14+$0x0], $0xffff  }
0x39: {  	v18 =	vadd.s32 v3, v23  }
0x3a: {  	v20 =	vld.idx.msk [tilespmem:v20+s14+$0x0], $0xffff  }
0x3b: {  	v21 =	vadd.s32 v1, v19;
	_ =	sdelay $0x1  }
0x3c: {  	s22 =	simm.s32 $0x10;
	[tilespmem:s0+$0xFFFFFFA0] =	vst v17  }
0x3d: {  	s29 =	simm.s32 $0x105E8;
	v17 =	vmov s22;
	v18 =	vld.idx.msk [tilespmem:v18+s14+$0x0], $0xffff  }
0x3e: {  	v17 =	vshrl.u32 v17, $0x3;
	[tilespmem:s29+$0xFFFFFF80] =	vst v20;
	v20 =	vadd.s32 v4, v23  }
0x3f: {  	v17 =	vshll.u32 v17, $0x3;
	v21 =	vld.idx.msk [tilespmem:v21+s14+$0x0], $0xffff  }
0x40: {  	v22 =	vadd.s32 v2, v19;
	v17 =	vbroadcast v17, $0x0;
	_ =	sdelay $0x1  }
0x41: {  	v24 =	vadd.s32 v0, v17;
	[tilespmem:s0+$0xFFFFFFB0] =	vst v18  }
0x42: {  	v18 =	vld.idx.msk [tilespmem:v20+s14+$0x0], $0xffff  }
0x43: {  	v20 =	vadd.s32 v5, v23;
	[tilespmem:s29+$0xFFFFFF90] =	vst v21  }
0x44: {  	v21 =	vld.idx.msk [tilespmem:v22+s14+$0x0], $0xffff  }
0x45: {  	v22 =	vadd.s32 v3, v19  }
0x46: {  	v24 =	vld.idx.msk [tilespmem:v24+s14+$0x0], $0xffff  }
0x47: {  	v25 =	vadd.s32 v1, v17;
	[tilespmem:s0+$0xFFFFFFC0] =	vst v18  }
0x48: {  	s5 =	simm.s32 $0x18;
	v20 =	vld.idx.msk [tilespmem:v20+s14+$0x0], $0xffff  }
0x49: {  	v18 =	vmov s5;
	[tilespmem:s29+$0xFFFFFFA0] =	vst v21;
	v21 =	vadd.s32 v6, v23  }
0x4a: {  	s28 =	simm.s32 $0x106E8;
	v18 =	vshrl.u32 v18, $0x3;
	v22 =	vld.idx.msk [tilespmem:v22+s14+$0x0], $0xffff  }
0x4b: {  	v18 =	vshll.u32 v18, $0x3;
	[tilespmem:s28+$0xFFFFFF80] =	vst v24;
	v24 =	vadd.s32 v4, v19  }
0x4c: {  	v18 =	vbroadcast v18, $0x0;
	v25 =	vld.idx.msk [tilespmem:v25+s14+$0x0], $0xffff  }
0x4d: {  	v26 =	vadd.s32 v2, v17;
	[tilespmem:s0+$0xFFFFFFD0] =	vst v20  }
0x4e: {  	v20 =	vld.idx.msk [tilespmem:v21+s14+$0x0], $0xffff;
	v21 =	vadd.s32 v0, v18  }
0x4f: {  	[tilespmem:s29+$0xFFFFFFB0] =	vst v22;
	v22 =	vadd.s32 v7, v23  }
0x50: {  	v24 =	vld.idx.msk [tilespmem:v24+s14+$0x0], $0xffff  }
0x51: {  	[tilespmem:s28+$0xFFFFFF90] =	vst v25;
	v25 =	vadd.s32 v5, v19  }
0x52: {  	v26 =	vld.idx.msk [tilespmem:v26+s14+$0x0], $0xffff  }
0x53: {  	v27 =	vadd.s32 v3, v17;
	v21 =	vld.idx.msk [tilespmem:v21+s14+$0x0], $0xffff;
	[tilespmem:s0+$0xFFFFFFE0] =	vst v20  }
0x54: {  	v20 =	vld.idx.msk [tilespmem:v22+s14+$0x0], $0xffff;
	v22 =	vadd.s32 v1, v18  }
0x55: {  	[tilespmem:s29+$0xFFFFFFC0] =	vst v24;
	v24 =	vadd.s32 v8, v23  }
0x56: {  	s7 =	simm.s32 $0x20;
	v25 =	vld.idx.msk [tilespmem:v25+s14+$0x0], $0xffff  }
0x57: {  	s30 =	simm.s32 $0x107E8;
	v28 =	vmov s7;
	[tilespmem:s28+$0xFFFFFFA0] =	vst v26;
	v26 =	vadd.s32 v6, v19  }
0x58: {  	v27 =	vld.idx.msk [tilespmem:v27+s14+$0x0], $0xffff;
	[tilespmem:s30+$0xFFFFFF80] =	vst v21;
	v21 =	vshrl.u32 v28, $0x3  }
0x59: {  	v28 =	vadd.s32 v4, v17;
	v22 =	vld.idx.msk [tilespmem:v22+s14+$0x0], $0xffff;
	[tilespmem:s0+$0xFFFFFFF0] =	vst v20;
	v20 =	vshll.u32 v21, $0x3  }
0x5a: {  	v21 =	vld.idx.msk [tilespmem:v24+s14+$0x0], $0xffff;
	v20 =	vbroadcast v20, $0x0;
	v24 =	vadd.s32 v2, v18  }
0x5b: {  	[tilespmem:s29+$0xFFFFFFD0] =	vst v25;
	v25 =	vadd.s32 v9, v23  }
0x5c: {  	v26 =	vld.idx.msk [tilespmem:v26+s14+$0x0], $0xffff;
	v29 =	vadd.s32 v0, v20  }
0x5d: {  	[tilespmem:s28+$0xFFFFFFB0] =	vst v27;
	v27 =	vadd.s32 v7, v19  }
0x5e: {  	v28 =	vld.idx.msk [tilespmem:v28+s14+$0x0], $0xffff;
	[tilespmem:s30+$0xFFFFFF90] =	vst v22  }
0x5f: {  	v22 =	vld.idx.msk [tilespmem:v24+s14+$0x0], $0xffff;
	v24 =	vadd.s32 v5, v17;
	[tilespmem:s0+$0x0] =	vst v21  }
0x60: {  	v21 =	vld.idx.msk [tilespmem:v25+s14+$0x0], $0xffff;
	v25 =	vadd.s32 v3, v18  }
0x61: {  	v29 =	vld.idx.msk [tilespmem:v29+s14+$0x0], $0xffff;
	[tilespmem:s29+$0xFFFFFFE0] =	vst v26;
	v26 =	vadd.s32 v10, v23  }
0x62: {  	v30 =	vadd.s32 v1, v20;
	v27 =	vld.idx.msk [tilespmem:v27+s14+$0x0], $0xffff  }
0x63: {  	[tilespmem:s28+$0xFFFFFFC0] =	vst v28;
	v28 =	vadd.s32 v8, v19  }
0x64: {  	s22 =	simm.s32 $0x28;
	v24 =	vld.idx.msk [tilespmem:v24+s14+$0x0], $0xffff;
	[tilespmem:s30+$0xFFFFFFA0] =	vst v22  }
0x65: {  	s31 =	simm.s32 $0x108E8;
	v22 =	vld.idx.msk [tilespmem:v25+s14+$0x0], $0xffff;
	v25 =	vadd.s32 v6, v17;
	[tilespmem:s0+$0x10] =	vst v21;
	v21 =	vmov s22  }
0x66: {  	[tilespmem:s31+$0xFFFFFF80] =	vst v29;
	v26 =	vld.idx.msk [tilespmem:v26+s14+$0x0], $0xffff;
	v21 =	vshrl.u32 v21, $0x3;
	v29 =	vadd.s32 v4, v18  }
0x67: {  	v30 =	vld.idx.msk [tilespmem:v30+s14+$0x0], $0xffff;
	[tilespmem:s29+$0xFFFFFFF0] =	vst v27;
	v21 =	vshll.u32 v21, $0x3;
	v27 =	vadd.s32 v11, v23  }
0x68: {  	v31 =	vadd.s32 v2, v20;
	v28 =	vld.idx.msk [tilespmem:v28+s14+$0x0], $0xffff;
	v21 =	vbroadcast v21, $0x0  }
0x69: {  	[tilespmem:s28+$0xFFFFFFD0] =	vst v24;
	v24 =	vadd.s32 v9, v19  }
0x6a: {  	v25 =	vld.idx.msk [tilespmem:v25+s14+$0x0], $0xffff;
	v32 =	vadd.s32 v0, v21;
	[tilespmem:s30+$0xFFFFFFB0] =	vst v22  }
0x6b: {  	v22 =	vld.idx.msk [tilespmem:v29+s14+$0x0], $0xffff;
	v29 =	vadd.s32 v7, v17;
	[tilespmem:s0+$0x20] =	vst v26  }
0x6c: {  	[tilespmem:s31+$0xFFFFFF90] =	vst v30;
	v26 =	vld.idx.msk [tilespmem:v27+s14+$0x0], $0xffff;
	v27 =	vadd.s32 v5, v18  }
0x6d: {  	v30 =	vld.idx.msk [tilespmem:v31+s14+$0x0], $0xffff;
	[tilespmem:s29+$0x0] =	vst v28;
	v28 =	vadd.s32 v12, v23  }
0x6e: {  	v31 =	vadd.s32 v3, v20;
	v24 =	vld.idx.msk [tilespmem:v24+s14+$0x0], $0xffff  }
0x6f: {  	v32 =	vld.idx.msk [tilespmem:v32+s14+$0x0], $0xffff;
	[tilespmem:s28+$0xFFFFFFE0] =	vst v25;
	v25 =	vadd.s32 v10, v19  }
0x70: {  	v33 =	vadd.s32 v1, v21;
	v29 =	vld.idx.msk [tilespmem:v29+s14+$0x0], $0xffff;
	[tilespmem:s30+$0xFFFFFFC0] =	vst v22  }
0x71: {  	v22 =	vadd.s32 v8, v17;
	v27 =	vld.idx.msk [tilespmem:v27+s14+$0x0], $0xffff;
	[tilespmem:s0+$0x30] =	vst v26  }
0x72: {  	s5 =	simm.s32 $0x30;
	[tilespmem:s31+$0xFFFFFFA0] =	vst v30;
	v26 =	vld.idx.msk [tilespmem:v28+s14+$0x0], $0xffff;
	v28 =	vadd.s32 v6, v18  }
0x73: {  	s1 =	simm.s32 $0x109E8;
	v30 =	vld.idx.msk [tilespmem:v31+s14+$0x0], $0xffff;
	[tilespmem:s29+$0x10] =	vst v24;
	v24 =	vmov s5;
	v31 =	vadd.s32 v13, v23  }
0x74: {  	v61 =	vadd.s32 v4, v20;
	[tilespmem:s1+$0xFFFFFF80] =	vst v32;
	v25 =	vld.idx.msk [tilespmem:v25+s14+$0x0], $0xffff;
	v24 =	vshrl.u32 v24, $0x3  }
0x75: {  	v33 =	vld.idx.msk [tilespmem:v33+s14+$0x0], $0xffff;
	[tilespmem:s28+$0xFFFFFFF0] =	vst v29;
	v24 =	vshll.u32 v24, $0x3;
	v29 =	vadd.s32 v11, v19  }
0x76: {  	v34 =	vld.idx.msk [tilespmem:v22+s14+$0x0], $0xffff;
	v22 =	vbroadcast v24, $0x0;
	v24 =	vadd.s32 v2, v21;
	[tilespmem:s30+$0xFFFFFFD0] =	vst v27  }
0x77: {  	v27 =	vld.idx.msk [tilespmem:v28+s14+$0x0], $0xffff;
	v28 =	vadd.s32 v9, v17;
	[tilespmem:s0+$0x40] =	vst v26  }
0x78: {  	v26 =	vadd.s32 v0, v22;
	[tilespmem:s31+$0xFFFFFFB0] =	vst v30;
	v30 =	vld.idx.msk [tilespmem:v31+s14+$0x0], $0xffff  }
0x79: {  	v62 =	vadd.s32 v7, v18;
	v31 =	vld.idx.msk [tilespmem:v61+s14+$0x0], $0xffff;
	[tilespmem:s29+$0x20] =	vst v25  }
0x7a: {  	v63 =	vadd.s32 v14, v23;
	[tilespmem:s1+$0xFFFFFF90] =	vst v33;
	v29 =	vld.idx.msk [tilespmem:v29+s14+$0x0], $0xffff  }
0x7b: {  	v35 =	vadd.s32 v5, v20;
	v24 =	vld.idx.msk [tilespmem:v24+s14+$0x0], $0xffff;
	[tilespmem:s28+$0x0] =	vst v34  }
0x7c: {  	v37 =	vadd.s32 v12, v19;
	v36 =	vld.idx.msk [tilespmem:v28+s14+$0x0], $0xffff  }
0x7d: {  	v39 =	vadd.s32 v3, v21;
	[tilespmem:s30+$0xFFFFFFE0] =	vst v27;
	v38 =	vld.idx.msk [tilespmem:v26+s14+$0x0], $0xffff  }
0x7e: {  	v27 =	vadd.s32 v10, v17;
	v25 =	vld.idx.msk [tilespmem:v62+s14+$0x0], $0xffff;
	[tilespmem:s0+$0x50] =	vst v30  }
0x7f: {  	v34 =	vadd.s32 v1, v22;
	[tilespmem:s31+$0xFFFFFFC0] =	vst v31;
	v30 =	vld.idx.msk [tilespmem:v63+s14+$0x0], $0xffff  }
0x80: {  	v26 =	vadd.s32 v8, v18;
	v28 =	vld.idx.msk [tilespmem:v35+s14+$0x0], $0xffff;
	[tilespmem:s29+$0x30] =	vst v29  }
0x81: {  	v31 =	vadd.s32 v15, v23;
	[tilespmem:s1+$0xFFFFFFA0] =	vst v24;
	v24 =	vld.idx.msk [tilespmem:v37+s14+$0x0], $0xffff  }
0x82: {  	s7 =	simm.s32 $0x38;
	s22 =	simm.s32 $0x10AE8;
	v32 =	vadd.s32 v6, v20;
	v33 =	vld.idx.msk [tilespmem:v39+s14+$0x0], $0xffff;
	[tilespmem:s28+$0x10] =	vst v36  }
0x83: {  	s5 =	sshll.u32 s24, $0x1;
	v23 =	vmov s7;
	s7 =	simm.s32 $0x40;
	v29 =	vadd.s32 v13, v19;
	[tilespmem:s22+$0xFFFFFF80] =	vst v38;
	v27 =	vld.idx.msk [tilespmem:v27+s14+$0x0], $0xffff  }
.LBB2_3:
0x84: {  	p1 =	sne.s32 s7, $0x3E0;
	v23 =	vshrl.u32 v23, $0x3;
	v34 =	vld.idx.msk [tilespmem:v34+s14+$0x0], $0xffff;
	v35 =	vadd.s32 v4, v21;
	[tilespmem:s30+$0xFFFFFFF0] =	vst v25  }
0x85: {  	v23 =	vshll.u32 v23, $0x3;
	v25 =	vld.idx.msk [tilespmem:v26+s14+$0x0], $0xffff;
	v26 =	vadd.s32 v11, v17;
	[tilespmem:s0+$0x60] =	vst v30  }
0x86: {  	v30 =	vadd.s32 v2, v22;
	v23 =	vbroadcast v23, $0x0;
	[tilespmem:s31+$0xFFFFFFD0] =	vst v28;
	v28 =	vld.idx.msk [tilespmem:v31+s14+$0x0], $0xffff  }
0x87: {  	v31 =	vld.idx.msk [tilespmem:v32+s14+$0x0], $0xffff;
	v32 =	vadd.s32 v9, v18;
	[tilespmem:s29+$0x40] =	vst v24  }
0x88: {  	v24 =	vadd.s32 v0, v23;
	[tilespmem:s1+$0xFFFFFFB0] =	vst v33;
	v29 =	vld.idx.msk [tilespmem:v29+s14+$0x0], $0xffff  }
0x89: {  	v33 =	vld.idx.msk [tilespmem:v35+s14+$0x0], $0xffff;
	v35 =	vadd.s32 v7, v20;
	[tilespmem:s28+$0x20] =	vst v27  }
0x8a: {  	[tilespmem:s22+$0xFFFFFF90] =	vst v34;
	v27 =	vld.idx.msk [tilespmem:v26+s14+$0x0], $0xffff;
	v26 =	vadd.s32 v14, v19  }
0x8b: {  	v37 =	vadd.s32 v5, v21;
	v36 =	vld.idx.msk [tilespmem:v30+s14+$0x0], $0xffff;
	[tilespmem:s30+$0x0] =	vst v25  }
0x8c: {  	v38 =	vld.idx.msk [tilespmem:v32+s14+$0x0], $0xffff;
	v32 =	vadd.s32 v12, v17;
	[tilespmem:s0+$0x70] =	vst v28;
	s0 =	smov.u32 s29;
	s29 =	smov.u32 s28;
	s28 =	smov.u32 s30  }
0x8d: {  	v40 =	vadd.s32 v3, v22;
	s30 =	smov.u32 s31;
	v39 =	vld.idx.msk [tilespmem:v24+s14+$0x0], $0xffff;
	[tilespmem:s31+$0xFFFFFFE0] =	vst v31;
	s31 =	smov.u32 s1;
	s1 =	smov.u32 s22  }
0x8e: {  	v25 =	vld.idx.msk [tilespmem:v35+s14+$0x0], $0xffff;
	v35 =	vadd.s32 v10, v18;
	[tilespmem:s0+$0x50] =	vst v29  }
.Ltmp0:
0x8f: {  	v34 =	vadd.s32 v1, v23;
	[tilespmem:s31+$0xFFFFFFC0] =	vst v33;
	v30 =	vld.idx.msk [tilespmem:v26+s14+$0x0], $0xffff;
	(pc) =	sbr.rel @p1 .LBB2_3-.Ltmp0, $4  }
0x90: {  	v26 =	vadd.s32 v8, v20;
	v28 =	vld.idx.msk [tilespmem:v37+s14+$0x0], $0xffff;
	[tilespmem:s29+$0x30] =	vst v27  }
0x91: {  	v31 =	vadd.s32 v15, v19;
	v19 =	vmovc v17;
	v17 =	vmov v18;
	v18 =	vmov v20;
	[tilespmem:s22+$0xFFFFFFA0] =	vst v36;
	v24 =	vld.idx.msk [tilespmem:v32+s14+$0x0], $0xffff  }
0x92: {  	v20 =	vmovc v21;
	s22 =	sadd.s32 $0x100, s22;
	v32 =	vadd.s32 v6, v21;
	v21 =	vmov v22;
	v22 =	vmov v23;
	v33 =	vld.idx.msk [tilespmem:v40+s14+$0x0], $0xffff;
	[tilespmem:s28+$0x10] =	vst v38  }
0x93: {  	v29 =	vadd.s32 v13, v19;
	v23 =	vmov s7;
	s7 =	sadd.s32 $0x8, s7;
	[tilespmem:s22+$0xFFFFFF80] =	vst v39;
	v27 =	vld.idx.msk [tilespmem:v35+s14+$0x0], $0xffff  }
0x94: {  	v23 =	vshrl.u32 v23, $0x3  }
0x95: {  	v23 =	vshll.u32 v23, $0x3  }
0x96: {  	v23 =	vbroadcast v23, $0x0;
	_ =	sdelay $0x1  }
0x97: {  	v35 =	vadd.s32 v0, v23;
	_ =	sdelay $0x4  }
0x98: {  	v35 =	vld.idx.msk [tilespmem:v35+s14+$0x0], $0xffff  }
0x99: {  	v36 =	vadd.s32 v1, v23;
	_ =	sdelay $0x2  }
0x9a: {  	s7 =	sadd.s32 $0x100, s22  }
0x9b: {  	v34 =	vld.idx.msk [tilespmem:v34+s14+$0x0], $0xffff;
	[tilespmem:s7+$0xFFFFFF80] =	vst v35  }
0x9c: {  	v51 =	vadd.s32 v2, v22;
	v36 =	vld.idx.msk [tilespmem:v36+s14+$0x0], $0xffff  }
0x9d: {  	v37 =	vadd.s32 v2, v23;
	_ =	sdelay $0x2  }
0x9e: {  	[tilespmem:s22+$0xFFFFFF90] =	vst v34  }
0x9f: {  	v34 =	vld.idx.msk [tilespmem:v51+s14+$0x0], $0xffff;
	[tilespmem:s7+$0xFFFFFF90] =	vst v36  }
0xa0: {  	v52 =	vadd.s32 v3, v22;
	v36 =	vld.idx.msk [tilespmem:v37+s14+$0x0], $0xffff  }
0xa1: {  	v53 =	vadd.s32 v3, v23;
	_ =	sdelay $0x2  }
0xa2: {  	[tilespmem:s22+$0xFFFFFFA0] =	vst v34  }
0xa3: {  	v54 =	vadd.s32 v4, v21;
	v35 =	vld.idx.msk [tilespmem:v52+s14+$0x0], $0xffff;
	[tilespmem:s7+$0xFFFFFFA0] =	vst v36  }
0xa4: {  	v55 =	vadd.s32 v4, v22;
	v37 =	vld.idx.msk [tilespmem:v53+s14+$0x0], $0xffff  }
0xa5: {  	v38 =	vadd.s32 v4, v23;
	_ =	sdelay $0x1  }
0xa6: {  	[tilespmem:s1+$0xFFFFFFB0] =	vst v33  }
0xa7: {  	v33 =	vld.idx.msk [tilespmem:v54+s14+$0x0], $0xffff;
	[tilespmem:s22+$0xFFFFFFB0] =	vst v35  }
0xa8: {  	v56 =	vadd.s32 v5, v21;
	v35 =	vld.idx.msk [tilespmem:v55+s14+$0x0], $0xffff;
	[tilespmem:s7+$0xFFFFFFB0] =	vst v37  }
0xa9: {  	v57 =	vadd.s32 v5, v22;
	v37 =	vld.idx.msk [tilespmem:v38+s14+$0x0], $0xffff  }
0xaa: {  	v58 =	vadd.s32 v5, v23;
	_ =	sdelay $0x1  }
0xab: {  	[tilespmem:s1+$0xFFFFFFC0] =	vst v33  }
0xac: {  	v33 =	vld.idx.msk [tilespmem:v56+s14+$0x0], $0xffff;
	[tilespmem:s22+$0xFFFFFFC0] =	vst v35  }
0xad: {  	v59 =	vadd.s32 v6, v21;
	v35 =	vld.idx.msk [tilespmem:v57+s14+$0x0], $0xffff;
	[tilespmem:s7+$0xFFFFFFC0] =	vst v37  }
0xae: {  	v60 =	vadd.s32 v6, v22;
	v61 =	vld.idx.msk [tilespmem:v58+s14+$0x0], $0xffff  }
0xaf: {  	[tilespmem:s0+$0x60] =	vst v30;
	v62 =	vadd.s32 v6, v23  }
0xb0: {  	v31 =	vld.idx.msk [tilespmem:v31+s14+$0x0], $0xffff;
	[tilespmem:s31+$0xFFFFFFD0] =	vst v28  }
0xb1: {  	v28 =	vld.idx.msk [tilespmem:v32+s14+$0x0], $0xffff;
	[tilespmem:s1+$0xFFFFFFD0] =	vst v33  }
0xb2: {  	v63 =	vadd.s32 v7, v20;
	v33 =	vld.idx.msk [tilespmem:v59+s14+$0x0], $0xffff;
	[tilespmem:s22+$0xFFFFFFD0] =	vst v35  }
0xb3: {  	v30 =	vld.idx.msk [tilespmem:v60+s14+$0x0], $0xffff;
	v38 =	vadd.s32 v7, v21;
	[tilespmem:s7+$0xFFFFFFD0] =	vst v61  }
0xb4: {  	v39 =	vadd.s32 v7, v22;
	[tilespmem:s30+$0xFFFFFFF0] =	vst v25;
	v40 =	vld.idx.msk [tilespmem:v62+s14+$0x0], $0xffff  }
0xb5: {  	v41 =	vadd.s32 v7, v23;
	[tilespmem:s0+$0x70] =	vst v31  }
0xb6: {  	[tilespmem:s31+$0xFFFFFFE0] =	vst v28  }
0xb7: {  	v28 =	vld.idx.msk [tilespmem:v63+s14+$0x0], $0xffff;
	[tilespmem:s1+$0xFFFFFFE0] =	vst v33  }
0xb8: {  	v42 =	vadd.s32 v8, v20;
	[tilespmem:s22+$0xFFFFFFE0] =	vst v30;
	v33 =	vld.idx.msk [tilespmem:v38+s14+$0x0], $0xffff  }
0xb9: {  	v43 =	vadd.s32 v8, v21;
	v31 =	vld.idx.msk [tilespmem:v39+s14+$0x0], $0xffff;
	[tilespmem:s7+$0xFFFFFFE0] =	vst v40  }
0xba: {  	v44 =	vadd.s32 v8, v22;
	[tilespmem:s29+$0x40] =	vst v24;
	v25 =	vld.idx.msk [tilespmem:v41+s14+$0x0], $0xffff  }
0xbb: {  	v26 =	vld.idx.msk [tilespmem:v26+s14+$0x0], $0xffff;
	[tilespmem:s28+$0x20] =	vst v27;
	v45 =	vadd.s32 v8, v23  }
0xbc: {  	v47 =	vadd.s32 v9, v18;
	v29 =	vld.idx.msk [tilespmem:v29+s14+$0x0], $0xffff;
	[tilespmem:s31+$0xFFFFFFF0] =	vst v28  }
0xbd: {  	v46 =	vadd.s32 v11, v17;
	v32 =	vld.idx.msk [tilespmem:v42+s14+$0x0], $0xffff;
	[tilespmem:s1+$0xFFFFFFF0] =	vst v33  }
0xbe: {  	v48 =	vadd.s32 v9, v20;
	[tilespmem:s22+$0xFFFFFFF0] =	vst v31;
	v30 =	vld.idx.msk [tilespmem:v43+s14+$0x0], $0xffff  }
0xbf: {  	v49 =	vadd.s32 v9, v21;
	v24 =	vld.idx.msk [tilespmem:v44+s14+$0x0], $0xffff;
	[tilespmem:s7+$0xFFFFFFF0] =	vst v25  }
0xc0: {  	v50 =	vadd.s32 v9, v22;
	[tilespmem:s30+$0x0] =	vst v26;
	v51 =	vld.idx.msk [tilespmem:v45+s14+$0x0], $0xffff  }
0xc1: {  	[tilespmem:s29+$0x50] =	vst v29;
	v28 =	vld.idx.msk [tilespmem:v47+s14+$0x0], $0xffff;
	v53 =	vadd.s32 v9, v23  }
0xc2: {  	v54 =	vadd.s32 v14, v19;
	v52 =	vld.idx.msk [tilespmem:v46+s14+$0x0], $0xffff;
	[tilespmem:s31+$0x0] =	vst v32  }
0xc3: {  	v55 =	vadd.s32 v10, v18;
	v33 =	vld.idx.msk [tilespmem:v48+s14+$0x0], $0xffff;
	[tilespmem:s1+$0x0] =	vst v30  }
0xc4: {  	v56 =	vadd.s32 v10, v20;
	[tilespmem:s22+$0x0] =	vst v24;
	v31 =	vld.idx.msk [tilespmem:v49+s14+$0x0], $0xffff  }
0xc5: {  	v57 =	vadd.s32 v10, v21;
	v25 =	vld.idx.msk [tilespmem:v50+s14+$0x0], $0xffff;
	[tilespmem:s7+$0x0] =	vst v51  }
0xc6: {  	[tilespmem:s30+$0x10] =	vst v28;
	v58 =	vadd.s32 v10, v22;
	v59 =	vld.idx.msk [tilespmem:v53+s14+$0x0], $0xffff  }
0xc7: {  	[tilespmem:s28+$0x30] =	vst v52;
	v60 =	vld.idx.msk [tilespmem:v54+s14+$0x0], $0xffff;
	v61 =	vadd.s32 v10, v23  }
0xc8: {  	v19 =	vadd.s32 v15, v19;
	v32 =	vld.idx.msk [tilespmem:v55+s14+$0x0], $0xffff;
	[tilespmem:s31+$0x10] =	vst v33  }
0xc9: {  	v63 =	vadd.s32 v11, v18;
	v30 =	vld.idx.msk [tilespmem:v56+s14+$0x0], $0xffff;
	[tilespmem:s1+$0x10] =	vst v31  }
0xca: {  	v36 =	vadd.s32 v11, v20;
	v24 =	vld.idx.msk [tilespmem:v57+s14+$0x0], $0xffff;
	[tilespmem:s22+$0x10] =	vst v25  }
0xcb: {  	v37 =	vadd.s32 v11, v21;
	v26 =	vld.idx.msk [tilespmem:v58+s14+$0x0], $0xffff;
	[tilespmem:s7+$0x10] =	vst v59  }
0xcc: {  	[tilespmem:s29+$0x60] =	vst v60;
	v38 =	vadd.s32 v11, v22;
	v28 =	vld.idx.msk [tilespmem:v61+s14+$0x0], $0xffff  }
0xcd: {  	[tilespmem:s30+$0x20] =	vst v32;
	v19 =	vld.idx.msk [tilespmem:v19+s14+$0x0], $0xffff;
	v40 =	vadd.s32 v11, v23  }
0xce: {  	v62 =	vadd.s32 v12, v17;
	v33 =	vld.idx.msk [tilespmem:v63+s14+$0x0], $0xffff;
	[tilespmem:s31+$0x20] =	vst v30  }
0xcf: {  	v41 =	vadd.s32 v12, v18;
	v31 =	vld.idx.msk [tilespmem:v36+s14+$0x0], $0xffff;
	[tilespmem:s1+$0x20] =	vst v24  }
0xd0: {  	v42 =	vadd.s32 v12, v20;
	v25 =	vld.idx.msk [tilespmem:v37+s14+$0x0], $0xffff;
	[tilespmem:s22+$0x20] =	vst v26  }
0xd1: {  	v43 =	vadd.s32 v12, v21;
	v27 =	vld.idx.msk [tilespmem:v38+s14+$0x0], $0xffff;
	[tilespmem:s7+$0x20] =	vst v28  }
0xd2: {  	[tilespmem:s29+$0x70] =	vst v19;
	v44 =	vadd.s32 v12, v22;
	v45 =	vld.idx.msk [tilespmem:v40+s14+$0x0], $0xffff  }
0xd3: {  	v46 =	vadd.s32 v12, v23;
	v39 =	vld.idx.msk [tilespmem:v62+s14+$0x0], $0xffff;
	[tilespmem:s30+$0x30] =	vst v33  }
0xd4: {  	v47 =	vadd.s32 v13, v17;
	v30 =	vld.idx.msk [tilespmem:v41+s14+$0x0], $0xffff;
	[tilespmem:s31+$0x30] =	vst v31  }
0xd5: {  	v48 =	vadd.s32 v13, v18;
	v24 =	vld.idx.msk [tilespmem:v42+s14+$0x0], $0xffff;
	[tilespmem:s1+$0x30] =	vst v25  }
0xd6: {  	v49 =	vadd.s32 v13, v20;
	v26 =	vld.idx.msk [tilespmem:v43+s14+$0x0], $0xffff;
	[tilespmem:s22+$0x30] =	vst v27  }
0xd7: {  	v50 =	vadd.s32 v13, v21;
	v28 =	vld.idx.msk [tilespmem:v44+s14+$0x0], $0xffff;
	[tilespmem:s7+$0x30] =	vst v45  }
0xd8: {  	v19 =	vadd.s32 v13, v22;
	[tilespmem:s28+$0x40] =	vst v39;
	v29 =	vld.idx.msk [tilespmem:v46+s14+$0x0], $0xffff  }
0xd9: {  	v52 =	vadd.s32 v13, v23;
	[tilespmem:s30+$0x40] =	vst v30;
	v51 =	vld.idx.msk [tilespmem:v47+s14+$0x0], $0xffff  }
0xda: {  	v31 =	vld.idx.msk [tilespmem:v48+s14+$0x0], $0xffff;
	v53 =	vadd.s32 v14, v17;
	[tilespmem:s31+$0x40] =	vst v24  }
0xdb: {  	v54 =	vadd.s32 v14, v18;
	v25 =	vld.idx.msk [tilespmem:v49+s14+$0x0], $0xffff;
	[tilespmem:s1+$0x40] =	vst v26  }
0xdc: {  	v55 =	vadd.s32 v14, v20;
	v27 =	vld.idx.msk [tilespmem:v50+s14+$0x0], $0xffff;
	[tilespmem:s22+$0x40] =	vst v28  }
0xdd: {  	v56 =	vadd.s32 v14, v21;
	v19 =	vld.idx.msk [tilespmem:v19+s14+$0x0], $0xffff;
	[tilespmem:s7+$0x40] =	vst v29  }
0xde: {  	v57 =	vadd.s32 v14, v22;
	[tilespmem:s28+$0x50] =	vst v51;
	v30 =	vld.idx.msk [tilespmem:v52+s14+$0x0], $0xffff  }
0xdf: {  	v58 =	vadd.s32 v14, v23;
	[tilespmem:s30+$0x50] =	vst v31;
	v32 =	vld.idx.msk [tilespmem:v53+s14+$0x0], $0xffff  }
0xe0: {  	v17 =	vadd.s32 v15, v17;
	v24 =	vld.idx.msk [tilespmem:v54+s14+$0x0], $0xffff;
	[tilespmem:s31+$0x50] =	vst v25  }
0xe1: {  	v18 =	vadd.s32 v15, v18;
	v25 =	vld.idx.msk [tilespmem:v55+s14+$0x0], $0xffff;
	[tilespmem:s1+$0x50] =	vst v27  }
0xe2: {  	v59 =	vadd.s32 v15, v20;
	v60 =	vld.idx.msk [tilespmem:v56+s14+$0x0], $0xffff;
	[tilespmem:s22+$0x50] =	vst v19  }
0xe3: {  	v19 =	vadd.s32 v15, v21;
	v61 =	vld.idx.msk [tilespmem:v57+s14+$0x0], $0xffff;
	[tilespmem:s7+$0x50] =	vst v30  }
0xe4: {  	v62 =	vadd.s32 v15, v22;
	[tilespmem:s28+$0x60] =	vst v32;
	v63 =	vld.idx.msk [tilespmem:v58+s14+$0x0], $0xffff  }
0xe5: {  	v23 =	vadd.s32 v15, v23;
	[tilespmem:s30+$0x60] =	vst v24;
	v17 =	vld.idx.msk [tilespmem:v17+s14+$0x0], $0xffff  }
0xe6: {  	v18 =	vld.idx.msk [tilespmem:v18+s14+$0x0], $0xffff;
	[tilespmem:s31+$0x60] =	vst v25  }
0xe7: {  	v20 =	vld.idx.msk [tilespmem:v59+s14+$0x0], $0xffff;
	[tilespmem:s1+$0x60] =	vst v60  }
0xe8: {  	v19 =	vld.idx.msk [tilespmem:v19+s14+$0x0], $0xffff;
	[tilespmem:s22+$0x60] =	vst v61  }
0xe9: {  	v21 =	vld.idx.msk [tilespmem:v62+s14+$0x0], $0xffff;
	[tilespmem:s7+$0x60] =	vst v63  }
0xea: {  	[tilespmem:s28+$0x70] =	vst v17;
	v17 =	vld.idx.msk [tilespmem:v23+s14+$0x0], $0xffff  }
0xeb: {  	s29 =	sadd.s32 s6, s5;
	[tilespmem:s30+$0x70] =	vst v18  }
0xec: {  	s5 =	sshll.u32 s29, $0x2;
	[tilespmem:s31+$0x70] =	vst v20  }
0xed: {  	s0 =	sshll.u32 s29, $0x5;
	s30 =	sand.u32 $0x8, s5;
	[tilespmem:s1+$0x70] =	vst v19  }
0xee: {  	s0 =	sand.u32 $0xFFFFF80, s0;
	s1 =	sadd.s32 s2, s30;
	[tilespmem:s22+$0x70] =	vst v21  }
0xef: {  	s31 =	simm.s32 $0x10468;
	s0 =	sadd.s32 s0, s1;
	s1 =	simm.s32 $0x400;
	[tilespmem:s7+$0x70] =	vst v17  }
0xf0: {  	[hbm4b:s0+s12] =	stream.strided.scatter [tilespmem:s31], [sflag:$0x3], $0x100, s18, s12, $0x38;
	[tilespmem:$0x1FE78] =	vst v63  }
.LBB2_5:
0xf1: {  	p1 =	sne.s32 s1, $0x1F000  }
.Ltmp1:
0xf2: {  	_ = 	snop;
	(pc) =	sbr.rel @p1 .LBB2_5-.Ltmp1, $4  }
0xf3: {  	_ = 	snop  }
0xf4: {  	s5 =	sshra.s32 s1, $0x2;
	s1 =	sadd.s32 $0x400, s1  }
0xf5: {  	s0 =	sadd.s32 $0xC800, s0;
	s5 =	sadd.s32 $0x10468, s5  }
0xf6: {  	[hbm4b:s0+s12] =	stream.strided.scatter [tilespmem:s5], [sflag:$0x3], $0x100, s18, s12, $0x38;
	[tilespmem:$0x1FE78] =	vst v63  }
0xf7: {  	s0 =	sshll.u32 s24, $0x8  }
0xf8: {  	s0 =	sshra.s32 s0, $0x2  }
0xf9: {  	v17 =	vld [tilespmem:s0+$0x0]  }
0xfa: {  	v18 =	vld [tilespmem:s0+$0x10];
	_ =	sdelay $0x3  }
0xfb: {  	v19 =	vand.u32 $0x3FF, v17;
	v17 =	vshra.s32 v17, $0xA  }
0xfc: {  	v20 =	vand.u32 $0x3FF, v18;
	v18 =	vshra.s32 v18, $0xA  }
0xfd: {  	v19 =	vadd.s32 v0, v19  }
0xfe: {  	p1 =	sne.s32 s24, $0x18;
	v20 =	vadd.s32 v1, v20  }
.Ltmp2:
0xff: {  	_ = 	snop;
	(pc) =	sbr.rel @p1 .LBB2_8-.Ltmp2, $4  }
0x100: {  	v26 =	vld.idx.msk [tilespmem:v17+s11+$0x0], $0xffff  }
0x101: {  	v24 =	vld.idx.msk [tilespmem:v18+s11+$0x0], $0xffff  }
0x102: {  	v25 =	vld.idx.msk [tilespmem:v19+s14+$0x0], $0xffff  }
0x103: {  	v23 =	vld.idx.msk [tilespmem:v20+s14+$0x0], $0xffff  }
.Ltmp3:
0x104: {  	(pc) =	sbr.rel .LBB2_9-.Ltmp3, $4  }
0x105: {  	_ = 	snop  }
0x106: {  	_ =	swait.ge [sflag:s19], $0x7D00  }
0x107: {  	[sflag:s19] =	ssyncset.done $0x0  }
0x108: {  	[sflag:s19] =	ssyncadd.s32 $0xFFFF8300  }
.LBB2_8:
0x109: {  	v17 =	vld [tilespmem:s0+$0x40];
	_ =	sdelay $0x4  }
0x10a: {  	v17 =	vshra.s32 v17, $0xA  }
0x10b: {  	[tilespmem:$0x640] =	vst v17  }
0x10c: {  	v17 =	vld [tilespmem:s0+$0x50];
	_ =	sdelay $0x4  }
0x10d: {  	v17 =	vshra.s32 v17, $0xA  }
.Ltmp4:
0x10e: {  	[tilespmem:$0x650] =	vst v17;
	(pc) =	sbr.rel @p0 .LBB2_10-.Ltmp4, $4  }
0x10f: {  	[tilespmem:s14], [sflag:$0x1] =	stream.indirect.gather [hbm4b:s4+s12], $0x3E8, s13, s12, $0xb8;
	[tilespmem:$0x1FE78] =	vst v63  }
0x110: {  	_ =	swait.ge [sflag:s19], $0x7D00  }
0x111: {  	[sflag:s19] =	ssyncset.done $0x0  }
0x112: {  	[sflag:s19] =	ssyncadd.s32 $0xFFFF8300  }
.LBB2_9:
0x113: {  	_ =	swait.ge [sflag:s20], $0x7D00  }
0x114: {  	[sflag:s20] =	ssyncset.done $0x0  }
0x115: {  	[sflag:s20] =	ssyncadd.s32 $0xFFFF8300  }
.LBB2_10:
0x116: {  	s0 =	simm.s32 $0x0  }
0x117: {  	v17 =	vmov s0  }
0x118: {  	v17 =	vshrl.u32 v17, $0x3  }
0x119: {  	v17 =	vshll.u32 v17, $0x3  }
0x11a: {  	v27 =	vbroadcast v17, $0x0;
	_ =	sdelay $0x1  }
0x11b: {  	v17 =	vadd.s32 v0, v27;
	_ =	sdelay $0x4  }
0x11c: {  	v17 =	vld.idx.msk [tilespmem:v17+s16+$0x0], $0xffff  }
0x11d: {  	v18 =	vadd.s32 v1, v27;
	_ =	sdelay $0x1  }
0x11e: {  	s1 =	simm.s32 $0x8  }
0x11f: {  	s0 =	simm.s32 $0x181E8;
	v19 =	vmov s1  }
0x120: {  	[tilespmem:s0+$0xFFFFFF80] =	vst v17;
	v17 =	vshrl.u32 v19, $0x3  }
0x121: {  	v18 =	vld.idx.msk [tilespmem:v18+s16+$0x0], $0xffff;
	v17 =	vshll.u32 v17, $0x3  }
0x122: {  	v19 =	vbroadcast v17, $0x0;
	v17 =	vadd.s32 v2, v27;
	_ =	sdelay $0x1  }
0x123: {  	v20 =	vadd.s32 v0, v19;
	_ =	sdelay $0x1  }
0x124: {  	[tilespmem:s0+$0xFFFFFF90] =	vst v18  }
0x125: {  	v17 =	vld.idx.msk [tilespmem:v17+s16+$0x0], $0xffff  }
0x126: {  	v18 =	vadd.s32 v3, v27  }
0x127: {  	v20 =	vld.idx.msk [tilespmem:v20+s16+$0x0], $0xffff  }
0x128: {  	v21 =	vadd.s32 v1, v19;
	_ =	sdelay $0x1  }
0x129: {  	s5 =	simm.s32 $0x10;
	[tilespmem:s0+$0xFFFFFFA0] =	vst v17  }
0x12a: {  	s29 =	simm.s32 $0x182E8;
	v17 =	vmov s5;
	v18 =	vld.idx.msk [tilespmem:v18+s16+$0x0], $0xffff  }
0x12b: {  	v17 =	vshrl.u32 v17, $0x3;
	[tilespmem:s29+$0xFFFFFF80] =	vst v20;
	v20 =	vadd.s32 v4, v27  }
0x12c: {  	v17 =	vshll.u32 v17, $0x3;
	v21 =	vld.idx.msk [tilespmem:v21+s16+$0x0], $0xffff  }
0x12d: {  	v22 =	vadd.s32 v2, v19;
	v17 =	vbroadcast v17, $0x0;
	_ =	sdelay $0x1  }
0x12e: {  	v28 =	vadd.s32 v0, v17;
	[tilespmem:s0+$0xFFFFFFB0] =	vst v18  }
0x12f: {  	v18 =	vld.idx.msk [tilespmem:v20+s16+$0x0], $0xffff  }
0x130: {  	v20 =	vadd.s32 v5, v27;
	[tilespmem:s29+$0xFFFFFF90] =	vst v21  }
0x131: {  	v21 =	vld.idx.msk [tilespmem:v22+s16+$0x0], $0xffff  }
0x132: {  	v22 =	vadd.s32 v3, v19  }
0x133: {  	v28 =	vld.idx.msk [tilespmem:v28+s16+$0x0], $0xffff  }
0x134: {  	v29 =	vadd.s32 v1, v17;
	[tilespmem:s0+$0xFFFFFFC0] =	vst v18  }
0x135: {  	s7 =	simm.s32 $0x18;
	v20 =	vld.idx.msk [tilespmem:v20+s16+$0x0], $0xffff  }
0x136: {  	v18 =	vmov s7;
	[tilespmem:s29+$0xFFFFFFA0] =	vst v21;
	v21 =	vadd.s32 v6, v27  }
0x137: {  	s28 =	simm.s32 $0x183E8;
	v18 =	vshrl.u32 v18, $0x3;
	v22 =	vld.idx.msk [tilespmem:v22+s16+$0x0], $0xffff  }
0x138: {  	v18 =	vshll.u32 v18, $0x3;
	[tilespmem:s28+$0xFFFFFF80] =	vst v28;
	v28 =	vadd.s32 v4, v19  }
0x139: {  	v18 =	vbroadcast v18, $0x0;
	v29 =	vld.idx.msk [tilespmem:v29+s16+$0x0], $0xffff  }
0x13a: {  	v30 =	vadd.s32 v2, v17;
	[tilespmem:s0+$0xFFFFFFD0] =	vst v20  }
0x13b: {  	v20 =	vld.idx.msk [tilespmem:v21+s16+$0x0], $0xffff;
	v21 =	vadd.s32 v0, v18  }
0x13c: {  	[tilespmem:s29+$0xFFFFFFB0] =	vst v22;
	v22 =	vadd.s32 v7, v27  }
0x13d: {  	v28 =	vld.idx.msk [tilespmem:v28+s16+$0x0], $0xffff  }
0x13e: {  	[tilespmem:s28+$0xFFFFFF90] =	vst v29;
	v29 =	vadd.s32 v5, v19  }
0x13f: {  	v30 =	vld.idx.msk [tilespmem:v30+s16+$0x0], $0xffff  }
0x140: {  	v31 =	vadd.s32 v3, v17;
	v21 =	vld.idx.msk [tilespmem:v21+s16+$0x0], $0xffff;
	[tilespmem:s0+$0xFFFFFFE0] =	vst v20  }
0x141: {  	v20 =	vld.idx.msk [tilespmem:v22+s16+$0x0], $0xffff;
	v22 =	vadd.s32 v1, v18  }
0x142: {  	[tilespmem:s29+$0xFFFFFFC0] =	vst v28;
	v28 =	vadd.s32 v8, v27  }
0x143: {  	s22 =	simm.s32 $0x20;
	v29 =	vld.idx.msk [tilespmem:v29+s16+$0x0], $0xffff  }
0x144: {  	s30 =	simm.s32 $0x184E8;
	v32 =	vmov s22;
	[tilespmem:s28+$0xFFFFFFA0] =	vst v30;
	v30 =	vadd.s32 v6, v19  }
0x145: {  	v31 =	vld.idx.msk [tilespmem:v31+s16+$0x0], $0xffff;
	[tilespmem:s30+$0xFFFFFF80] =	vst v21;
	v21 =	vshrl.u32 v32, $0x3  }
0x146: {  	v47 =	vadd.s32 v4, v17;
	v22 =	vld.idx.msk [tilespmem:v22+s16+$0x0], $0xffff;
	[tilespmem:s0+$0xFFFFFFF0] =	vst v20;
	v20 =	vshll.u32 v21, $0x3  }
0x147: {  	v21 =	vld.idx.msk [tilespmem:v28+s16+$0x0], $0xffff;
	v20 =	vbroadcast v20, $0x0;
	v28 =	vadd.s32 v2, v18  }
0x148: {  	[tilespmem:s29+$0xFFFFFFD0] =	vst v29;
	v29 =	vadd.s32 v9, v27  }
0x149: {  	v30 =	vld.idx.msk [tilespmem:v30+s16+$0x0], $0xffff;
	v33 =	vadd.s32 v0, v20  }
0x14a: {  	[tilespmem:s28+$0xFFFFFFB0] =	vst v31;
	v31 =	vadd.s32 v7, v19  }
0x14b: {  	v32 =	vld.idx.msk [tilespmem:v47+s16+$0x0], $0xffff;
	[tilespmem:s30+$0xFFFFFF90] =	vst v22  }
0x14c: {  	v22 =	vld.idx.msk [tilespmem:v28+s16+$0x0], $0xffff;
	v28 =	vadd.s32 v5, v17;
	[tilespmem:s0+$0x0] =	vst v21  }
0x14d: {  	v21 =	vld.idx.msk [tilespmem:v29+s16+$0x0], $0xffff;
	v29 =	vadd.s32 v3, v18  }
0x14e: {  	v33 =	vld.idx.msk [tilespmem:v33+s16+$0x0], $0xffff;
	[tilespmem:s29+$0xFFFFFFE0] =	vst v30;
	v30 =	vadd.s32 v10, v27  }
0x14f: {  	v34 =	vadd.s32 v1, v20;
	v31 =	vld.idx.msk [tilespmem:v31+s16+$0x0], $0xffff  }
0x150: {  	v48 =	vadd.s32 v8, v19;
	[tilespmem:s28+$0xFFFFFFC0] =	vst v32  }
0x151: {  	s5 =	simm.s32 $0x28;
	v28 =	vld.idx.msk [tilespmem:v28+s16+$0x0], $0xffff;
	[tilespmem:s30+$0xFFFFFFA0] =	vst v22  }
0x152: {  	s31 =	simm.s32 $0x185E8;
	v22 =	vld.idx.msk [tilespmem:v29+s16+$0x0], $0xffff;
	v29 =	vadd.s32 v6, v17;
	[tilespmem:s0+$0x10] =	vst v21;
	v21 =	vmov s5  }
0x153: {  	v49 =	vadd.s32 v4, v18;
	[tilespmem:s31+$0xFFFFFF80] =	vst v33;
	v30 =	vld.idx.msk [tilespmem:v30+s16+$0x0], $0xffff;
	v21 =	vshrl.u32 v21, $0x3  }
0x154: {  	v34 =	vld.idx.msk [tilespmem:v34+s16+$0x0], $0xffff;
	[tilespmem:s29+$0xFFFFFFF0] =	vst v31;
	v21 =	vshll.u32 v21, $0x3;
	v31 =	vadd.s32 v11, v27  }
0x155: {  	v35 =	vadd.s32 v2, v20;
	v32 =	vld.idx.msk [tilespmem:v48+s16+$0x0], $0xffff;
	v21 =	vbroadcast v21, $0x0  }
0x156: {  	[tilespmem:s28+$0xFFFFFFD0] =	vst v28;
	v28 =	vadd.s32 v9, v19  }
0x157: {  	v29 =	vld.idx.msk [tilespmem:v29+s16+$0x0], $0xffff;
	v36 =	vadd.s32 v0, v21;
	[tilespmem:s30+$0xFFFFFFB0] =	vst v22  }
0x158: {  	v50 =	vadd.s32 v7, v17;
	v22 =	vld.idx.msk [tilespmem:v49+s16+$0x0], $0xffff;
	[tilespmem:s0+$0x20] =	vst v30  }
0x159: {  	[tilespmem:s31+$0xFFFFFF90] =	vst v34;
	v30 =	vld.idx.msk [tilespmem:v31+s16+$0x0], $0xffff;
	v31 =	vadd.s32 v5, v18  }
0x15a: {  	v51 =	vadd.s32 v12, v27;
	v34 =	vld.idx.msk [tilespmem:v35+s16+$0x0], $0xffff;
	[tilespmem:s29+$0x0] =	vst v32  }
0x15b: {  	v52 =	vadd.s32 v3, v20;
	v28 =	vld.idx.msk [tilespmem:v28+s16+$0x0], $0xffff  }
0x15c: {  	v36 =	vld.idx.msk [tilespmem:v36+s16+$0x0], $0xffff;
	[tilespmem:s28+$0xFFFFFFE0] =	vst v29;
	v29 =	vadd.s32 v10, v19  }
0x15d: {  	v37 =	vadd.s32 v1, v21;
	v33 =	vld.idx.msk [tilespmem:v50+s16+$0x0], $0xffff;
	[tilespmem:s30+$0xFFFFFFC0] =	vst v22  }
0x15e: {  	v22 =	vadd.s32 v8, v17;
	v31 =	vld.idx.msk [tilespmem:v31+s16+$0x0], $0xffff;
	[tilespmem:s0+$0x30] =	vst v30  }
0x15f: {  	v53 =	vadd.s32 v6, v18;
	s5 =	simm.s32 $0x30;
	[tilespmem:s31+$0xFFFFFFA0] =	vst v34;
	v30 =	vld.idx.msk [tilespmem:v51+s16+$0x0], $0xffff  }
0x160: {  	s1 =	simm.s32 $0x186E8;
	v54 =	vadd.s32 v13, v27;
	v34 =	vld.idx.msk [tilespmem:v52+s16+$0x0], $0xffff;
	[tilespmem:s29+$0x10] =	vst v28;
	v28 =	vmov s5  }
0x161: {  	v55 =	vadd.s32 v4, v20;
	[tilespmem:s1+$0xFFFFFF80] =	vst v36;
	v29 =	vld.idx.msk [tilespmem:v29+s16+$0x0], $0xffff;
	v28 =	vshrl.u32 v28, $0x3  }
0x162: {  	v56 =	vadd.s32 v11, v19;
	v37 =	vld.idx.msk [tilespmem:v37+s16+$0x0], $0xffff;
	[tilespmem:s28+$0xFFFFFFF0] =	vst v33;
	v28 =	vshll.u32 v28, $0x3  }
0x163: {  	v38 =	vld.idx.msk [tilespmem:v22+s16+$0x0], $0xffff;
	v22 =	vbroadcast v28, $0x0;
	v28 =	vadd.s32 v2, v21;
	[tilespmem:s30+$0xFFFFFFD0] =	vst v31  }
0x164: {  	v57 =	vadd.s32 v9, v17;
	v31 =	vld.idx.msk [tilespmem:v53+s16+$0x0], $0xffff;
	[tilespmem:s0+$0x40] =	vst v30  }
0x165: {  	v30 =	vadd.s32 v0, v22;
	[tilespmem:s31+$0xFFFFFFB0] =	vst v34;
	v58 =	vld.idx.msk [tilespmem:v54+s16+$0x0], $0xffff  }
0x166: {  	v60 =	vadd.s32 v7, v18;
	v59 =	vld.idx.msk [tilespmem:v55+s16+$0x0], $0xffff;
	[tilespmem:s29+$0x20] =	vst v29  }
0x167: {  	v61 =	vadd.s32 v14, v27;
	[tilespmem:s1+$0xFFFFFF90] =	vst v37;
	v29 =	vld.idx.msk [tilespmem:v56+s16+$0x0], $0xffff  }
0x168: {  	v37 =	vld.idx.msk [tilespmem:v28+s16+$0x0], $0xffff;
	v28 =	vadd.s32 v5, v20;
	[tilespmem:s28+$0x0] =	vst v38  }
0x169: {  	v62 =	vadd.s32 v12, v19;
	v32 =	vld.idx.msk [tilespmem:v57+s16+$0x0], $0xffff  }
0x16a: {  	v40 =	vadd.s32 v3, v21;
	[tilespmem:s30+$0xFFFFFFE0] =	vst v31;
	v39 =	vld.idx.msk [tilespmem:v30+s16+$0x0], $0xffff  }
0x16b: {  	v26 =	vsub.f32 v26, v25;
	v63 =	vadd.s32 v10, v17;
	v25 =	vld.idx.msk [tilespmem:v60+s16+$0x0], $0xffff;
	[tilespmem:s0+$0x50] =	vst v58  }
0x16c: {  	v34 =	vadd.s32 v1, v22;
	[tilespmem:s31+$0xFFFFFFC0] =	vst v59;
	v30 =	vld.idx.msk [tilespmem:v61+s16+$0x0], $0xffff  }
0x16d: {  	v16 =	vadd.f32 v26, v16;
	v26 =	vadd.s32 v8, v18;
	[tilespmem:s29+$0x30] =	vst v29;
	v28 =	vld.idx.msk [tilespmem:v28+s16+$0x0], $0xffff  }
0x16e: {  	v23 =	vsub.f32 v24, v23;
	v31 =	vadd.s32 v15, v27;
	[tilespmem:s1+$0xFFFFFFA0] =	vst v37;
	v24 =	vld.idx.msk [tilespmem:v62+s16+$0x0], $0xffff  }
0x16f: {  	s22 =	simm.s32 $0x187E8;
	s7 =	simm.s32 $0x38;
	v33 =	vld.idx.msk [tilespmem:v40+s16+$0x0], $0xffff;
	[tilespmem:s28+$0x10] =	vst v32;
	v32 =	vadd.s32 v6, v20  }
0x170: {  	v16 =	vadd.f32 v23, v16;
	v23 =	vmov s7;
	s5 =	simm.s32 $0x40;
	v29 =	vadd.s32 v13, v19;
	[tilespmem:s22+$0xFFFFFF80] =	vst v39;
	v27 =	vld.idx.msk [tilespmem:v63+s16+$0x0], $0xffff  }
.LBB2_11:
0x171: {  	p0 =	sne.s32 s5, $0x3E0;
	v23 =	vshrl.u32 v23, $0x3;
	v34 =	vld.idx.msk [tilespmem:v34+s16+$0x0], $0xffff;
	v35 =	vadd.s32 v4, v21;
	[tilespmem:s30+$0xFFFFFFF0] =	vst v25  }
0x172: {  	v23 =	vshll.u32 v23, $0x3;
	v25 =	vld.idx.msk [tilespmem:v26+s16+$0x0], $0xffff;
	v26 =	vadd.s32 v11, v17;
	[tilespmem:s0+$0x60] =	vst v30  }
0x173: {  	v30 =	vadd.s32 v2, v22;
	v23 =	vbroadcast v23, $0x0;
	[tilespmem:s31+$0xFFFFFFD0] =	vst v28;
	v28 =	vld.idx.msk [tilespmem:v31+s16+$0x0], $0xffff  }
0x174: {  	v31 =	vld.idx.msk [tilespmem:v32+s16+$0x0], $0xffff;
	v32 =	vadd.s32 v9, v18;
	[tilespmem:s29+$0x40] =	vst v24  }
0x175: {  	v24 =	vadd.s32 v0, v23;
	[tilespmem:s1+$0xFFFFFFB0] =	vst v33;
	v29 =	vld.idx.msk [tilespmem:v29+s16+$0x0], $0xffff  }
0x176: {  	v33 =	vld.idx.msk [tilespmem:v35+s16+$0x0], $0xffff;
	v35 =	vadd.s32 v7, v20;
	[tilespmem:s28+$0x20] =	vst v27  }
0x177: {  	[tilespmem:s22+$0xFFFFFF90] =	vst v34;
	v27 =	vld.idx.msk [tilespmem:v26+s16+$0x0], $0xffff;
	v26 =	vadd.s32 v14, v19  }
0x178: {  	v37 =	vadd.s32 v5, v21;
	v36 =	vld.idx.msk [tilespmem:v30+s16+$0x0], $0xffff;
	[tilespmem:s30+$0x0] =	vst v25  }
0x179: {  	v38 =	vld.idx.msk [tilespmem:v32+s16+$0x0], $0xffff;
	v32 =	vadd.s32 v12, v17;
	[tilespmem:s0+$0x70] =	vst v28;
	s0 =	smov.u32 s29;
	s29 =	smov.u32 s28;
	s28 =	smov.u32 s30  }
0x17a: {  	v40 =	vadd.s32 v3, v22;
	s30 =	smov.u32 s31;
	v39 =	vld.idx.msk [tilespmem:v24+s16+$0x0], $0xffff;
	[tilespmem:s31+$0xFFFFFFE0] =	vst v31;
	s31 =	smov.u32 s1;
	s1 =	smov.u32 s22  }
0x17b: {  	v25 =	vld.idx.msk [tilespmem:v35+s16+$0x0], $0xffff;
	v35 =	vadd.s32 v10, v18;
	[tilespmem:s0+$0x50] =	vst v29  }
.Ltmp5:
0x17c: {  	v34 =	vadd.s32 v1, v23;
	[tilespmem:s31+$0xFFFFFFC0] =	vst v33;
	v30 =	vld.idx.msk [tilespmem:v26+s16+$0x0], $0xffff;
	(pc) =	sbr.rel @p0 .LBB2_11-.Ltmp5, $4  }
0x17d: {  	v26 =	vadd.s32 v8, v20;
	v28 =	vld.idx.msk [tilespmem:v37+s16+$0x0], $0xffff;
	[tilespmem:s29+$0x30] =	vst v27  }
0x17e: {  	v31 =	vadd.s32 v15, v19;
	v19 =	vmovc v17;
	v17 =	vmov v18;
	v18 =	vmov v20;
	[tilespmem:s22+$0xFFFFFFA0] =	vst v36;
	v24 =	vld.idx.msk [tilespmem:v32+s16+$0x0], $0xffff  }
0x17f: {  	v20 =	vmovc v21;
	s22 =	sadd.s32 $0x100, s22;
	v32 =	vadd.s32 v6, v21;
	v21 =	vmov v22;
	v22 =	vmov v23;
	v33 =	vld.idx.msk [tilespmem:v40+s16+$0x0], $0xffff;
	[tilespmem:s28+$0x10] =	vst v38  }
0x180: {  	v29 =	vadd.s32 v13, v19;
	v23 =	vmov s5;
	s5 =	sadd.s32 $0x8, s5;
	[tilespmem:s22+$0xFFFFFF80] =	vst v39;
	v27 =	vld.idx.msk [tilespmem:v35+s16+$0x0], $0xffff  }
0x181: {  	v23 =	vshrl.u32 v23, $0x3  }
0x182: {  	v23 =	vshll.u32 v23, $0x3  }
0x183: {  	v23 =	vbroadcast v23, $0x0;
	_ =	sdelay $0x1  }
0x184: {  	v35 =	vadd.s32 v0, v23;
	_ =	sdelay $0x4  }
0x185: {  	v35 =	vld.idx.msk [tilespmem:v35+s16+$0x0], $0xffff  }
0x186: {  	v36 =	vadd.s32 v1, v23;
	_ =	sdelay $0x2  }
0x187: {  	s5 =	sadd.s32 $0x100, s22  }
0x188: {  	v34 =	vld.idx.msk [tilespmem:v34+s16+$0x0], $0xffff;
	[tilespmem:s5+$0xFFFFFF80] =	vst v35  }
0x189: {  	v51 =	vadd.s32 v2, v22;
	v36 =	vld.idx.msk [tilespmem:v36+s16+$0x0], $0xffff  }
0x18a: {  	v37 =	vadd.s32 v2, v23;
	_ =	sdelay $0x2  }
0x18b: {  	[tilespmem:s22+$0xFFFFFF90] =	vst v34  }
0x18c: {  	v34 =	vld.idx.msk [tilespmem:v51+s16+$0x0], $0xffff;
	[tilespmem:s5+$0xFFFFFF90] =	vst v36  }
0x18d: {  	v52 =	vadd.s32 v3, v22;
	v36 =	vld.idx.msk [tilespmem:v37+s16+$0x0], $0xffff  }
0x18e: {  	v53 =	vadd.s32 v3, v23;
	_ =	sdelay $0x2  }
0x18f: {  	[tilespmem:s22+$0xFFFFFFA0] =	vst v34  }
0x190: {  	v54 =	vadd.s32 v4, v21;
	v35 =	vld.idx.msk [tilespmem:v52+s16+$0x0], $0xffff;
	[tilespmem:s5+$0xFFFFFFA0] =	vst v36  }
0x191: {  	v55 =	vadd.s32 v4, v22;
	v37 =	vld.idx.msk [tilespmem:v53+s16+$0x0], $0xffff  }
0x192: {  	v38 =	vadd.s32 v4, v23;
	_ =	sdelay $0x1  }
0x193: {  	[tilespmem:s1+$0xFFFFFFB0] =	vst v33  }
0x194: {  	v33 =	vld.idx.msk [tilespmem:v54+s16+$0x0], $0xffff;
	[tilespmem:s22+$0xFFFFFFB0] =	vst v35  }
0x195: {  	v56 =	vadd.s32 v5, v21;
	v35 =	vld.idx.msk [tilespmem:v55+s16+$0x0], $0xffff;
	[tilespmem:s5+$0xFFFFFFB0] =	vst v37  }
0x196: {  	v57 =	vadd.s32 v5, v22;
	v37 =	vld.idx.msk [tilespmem:v38+s16+$0x0], $0xffff  }
0x197: {  	v58 =	vadd.s32 v5, v23;
	_ =	sdelay $0x1  }
0x198: {  	[tilespmem:s1+$0xFFFFFFC0] =	vst v33  }
0x199: {  	v33 =	vld.idx.msk [tilespmem:v56+s16+$0x0], $0xffff;
	[tilespmem:s22+$0xFFFFFFC0] =	vst v35  }
0x19a: {  	v59 =	vadd.s32 v6, v21;
	v35 =	vld.idx.msk [tilespmem:v57+s16+$0x0], $0xffff;
	[tilespmem:s5+$0xFFFFFFC0] =	vst v37  }
0x19b: {  	v60 =	vadd.s32 v6, v22;
	v61 =	vld.idx.msk [tilespmem:v58+s16+$0x0], $0xffff  }
0x19c: {  	[tilespmem:s0+$0x60] =	vst v30;
	v62 =	vadd.s32 v6, v23  }
0x19d: {  	v31 =	vld.idx.msk [tilespmem:v31+s16+$0x0], $0xffff;
	[tilespmem:s31+$0xFFFFFFD0] =	vst v28  }
0x19e: {  	v28 =	vld.idx.msk [tilespmem:v32+s16+$0x0], $0xffff;
	[tilespmem:s1+$0xFFFFFFD0] =	vst v33  }
0x19f: {  	v63 =	vadd.s32 v7, v20;
	v33 =	vld.idx.msk [tilespmem:v59+s16+$0x0], $0xffff;
	[tilespmem:s22+$0xFFFFFFD0] =	vst v35  }
0x1a0: {  	v30 =	vld.idx.msk [tilespmem:v60+s16+$0x0], $0xffff;
	v38 =	vadd.s32 v7, v21;
	[tilespmem:s5+$0xFFFFFFD0] =	vst v61  }
0x1a1: {  	v39 =	vadd.s32 v7, v22;
	[tilespmem:s30+$0xFFFFFFF0] =	vst v25;
	v40 =	vld.idx.msk [tilespmem:v62+s16+$0x0], $0xffff  }
0x1a2: {  	v41 =	vadd.s32 v7, v23;
	[tilespmem:s0+$0x70] =	vst v31  }
0x1a3: {  	[tilespmem:s31+$0xFFFFFFE0] =	vst v28  }
0x1a4: {  	v28 =	vld.idx.msk [tilespmem:v63+s16+$0x0], $0xffff;
	[tilespmem:s1+$0xFFFFFFE0] =	vst v33  }
0x1a5: {  	v42 =	vadd.s32 v8, v20;
	[tilespmem:s22+$0xFFFFFFE0] =	vst v30;
	v33 =	vld.idx.msk [tilespmem:v38+s16+$0x0], $0xffff  }
0x1a6: {  	v43 =	vadd.s32 v8, v21;
	v31 =	vld.idx.msk [tilespmem:v39+s16+$0x0], $0xffff;
	[tilespmem:s5+$0xFFFFFFE0] =	vst v40  }
0x1a7: {  	v44 =	vadd.s32 v8, v22;
	[tilespmem:s29+$0x40] =	vst v24;
	v25 =	vld.idx.msk [tilespmem:v41+s16+$0x0], $0xffff  }
0x1a8: {  	v26 =	vld.idx.msk [tilespmem:v26+s16+$0x0], $0xffff;
	[tilespmem:s28+$0x20] =	vst v27;
	v45 =	vadd.s32 v8, v23  }
0x1a9: {  	v47 =	vadd.s32 v9, v18;
	v29 =	vld.idx.msk [tilespmem:v29+s16+$0x0], $0xffff;
	[tilespmem:s31+$0xFFFFFFF0] =	vst v28  }
0x1aa: {  	v46 =	vadd.s32 v11, v17;
	v32 =	vld.idx.msk [tilespmem:v42+s16+$0x0], $0xffff;
	[tilespmem:s1+$0xFFFFFFF0] =	vst v33  }
0x1ab: {  	v48 =	vadd.s32 v9, v20;
	[tilespmem:s22+$0xFFFFFFF0] =	vst v31;
	v30 =	vld.idx.msk [tilespmem:v43+s16+$0x0], $0xffff  }
0x1ac: {  	v49 =	vadd.s32 v9, v21;
	v24 =	vld.idx.msk [tilespmem:v44+s16+$0x0], $0xffff;
	[tilespmem:s5+$0xFFFFFFF0] =	vst v25  }
0x1ad: {  	v50 =	vadd.s32 v9, v22;
	[tilespmem:s30+$0x0] =	vst v26;
	v51 =	vld.idx.msk [tilespmem:v45+s16+$0x0], $0xffff  }
0x1ae: {  	[tilespmem:s29+$0x50] =	vst v29;
	v28 =	vld.idx.msk [tilespmem:v47+s16+$0x0], $0xffff;
	v53 =	vadd.s32 v9, v23  }
0x1af: {  	v54 =	vadd.s32 v14, v19;
	v52 =	vld.idx.msk [tilespmem:v46+s16+$0x0], $0xffff;
	[tilespmem:s31+$0x0] =	vst v32  }
0x1b0: {  	v55 =	vadd.s32 v10, v18;
	v33 =	vld.idx.msk [tilespmem:v48+s16+$0x0], $0xffff;
	[tilespmem:s1+$0x0] =	vst v30  }
0x1b1: {  	v56 =	vadd.s32 v10, v20;
	[tilespmem:s22+$0x0] =	vst v24;
	v31 =	vld.idx.msk [tilespmem:v49+s16+$0x0], $0xffff  }
0x1b2: {  	v57 =	vadd.s32 v10, v21;
	v25 =	vld.idx.msk [tilespmem:v50+s16+$0x0], $0xffff;
	[tilespmem:s5+$0x0] =	vst v51  }
0x1b3: {  	[tilespmem:s30+$0x10] =	vst v28;
	v58 =	vadd.s32 v10, v22;
	v59 =	vld.idx.msk [tilespmem:v53+s16+$0x0], $0xffff  }
0x1b4: {  	[tilespmem:s28+$0x30] =	vst v52;
	v60 =	vld.idx.msk [tilespmem:v54+s16+$0x0], $0xffff;
	v61 =	vadd.s32 v10, v23  }
0x1b5: {  	v19 =	vadd.s32 v15, v19;
	v32 =	vld.idx.msk [tilespmem:v55+s16+$0x0], $0xffff;
	[tilespmem:s31+$0x10] =	vst v33  }
0x1b6: {  	v63 =	vadd.s32 v11, v18;
	v30 =	vld.idx.msk [tilespmem:v56+s16+$0x0], $0xffff;
	[tilespmem:s1+$0x10] =	vst v31  }
0x1b7: {  	v36 =	vadd.s32 v11, v20;
	v24 =	vld.idx.msk [tilespmem:v57+s16+$0x0], $0xffff;
	[tilespmem:s22+$0x10] =	vst v25  }
0x1b8: {  	v37 =	vadd.s32 v11, v21;
	v26 =	vld.idx.msk [tilespmem:v58+s16+$0x0], $0xffff;
	[tilespmem:s5+$0x10] =	vst v59  }
0x1b9: {  	[tilespmem:s29+$0x60] =	vst v60;
	v38 =	vadd.s32 v11, v22;
	v28 =	vld.idx.msk [tilespmem:v61+s16+$0x0], $0xffff  }
0x1ba: {  	[tilespmem:s30+$0x20] =	vst v32;
	v19 =	vld.idx.msk [tilespmem:v19+s16+$0x0], $0xffff;
	v40 =	vadd.s32 v11, v23  }
0x1bb: {  	v62 =	vadd.s32 v12, v17;
	v33 =	vld.idx.msk [tilespmem:v63+s16+$0x0], $0xffff;
	[tilespmem:s31+$0x20] =	vst v30  }
0x1bc: {  	v41 =	vadd.s32 v12, v18;
	v31 =	vld.idx.msk [tilespmem:v36+s16+$0x0], $0xffff;
	[tilespmem:s1+$0x20] =	vst v24  }
0x1bd: {  	v42 =	vadd.s32 v12, v20;
	v25 =	vld.idx.msk [tilespmem:v37+s16+$0x0], $0xffff;
	[tilespmem:s22+$0x20] =	vst v26  }
0x1be: {  	v43 =	vadd.s32 v12, v21;
	v27 =	vld.idx.msk [tilespmem:v38+s16+$0x0], $0xffff;
	[tilespmem:s5+$0x20] =	vst v28  }
0x1bf: {  	[tilespmem:s29+$0x70] =	vst v19;
	v44 =	vadd.s32 v12, v22;
	v45 =	vld.idx.msk [tilespmem:v40+s16+$0x0], $0xffff  }
0x1c0: {  	v46 =	vadd.s32 v12, v23;
	v39 =	vld.idx.msk [tilespmem:v62+s16+$0x0], $0xffff;
	[tilespmem:s30+$0x30] =	vst v33  }
0x1c1: {  	v47 =	vadd.s32 v13, v17;
	v30 =	vld.idx.msk [tilespmem:v41+s16+$0x0], $0xffff;
	[tilespmem:s31+$0x30] =	vst v31  }
0x1c2: {  	v48 =	vadd.s32 v13, v18;
	v24 =	vld.idx.msk [tilespmem:v42+s16+$0x0], $0xffff;
	[tilespmem:s1+$0x30] =	vst v25  }
0x1c3: {  	v49 =	vadd.s32 v13, v20;
	v26 =	vld.idx.msk [tilespmem:v43+s16+$0x0], $0xffff;
	[tilespmem:s22+$0x30] =	vst v27  }
0x1c4: {  	v50 =	vadd.s32 v13, v21;
	v28 =	vld.idx.msk [tilespmem:v44+s16+$0x0], $0xffff;
	[tilespmem:s5+$0x30] =	vst v45  }
0x1c5: {  	v19 =	vadd.s32 v13, v22;
	[tilespmem:s28+$0x40] =	vst v39;
	v29 =	vld.idx.msk [tilespmem:v46+s16+$0x0], $0xffff  }
0x1c6: {  	v52 =	vadd.s32 v13, v23;
	[tilespmem:s30+$0x40] =	vst v30;
	v51 =	vld.idx.msk [tilespmem:v47+s16+$0x0], $0xffff  }
0x1c7: {  	v31 =	vld.idx.msk [tilespmem:v48+s16+$0x0], $0xffff;
	v53 =	vadd.s32 v14, v17;
	[tilespmem:s31+$0x40] =	vst v24  }
0x1c8: {  	v54 =	vadd.s32 v14, v18;
	v25 =	vld.idx.msk [tilespmem:v49+s16+$0x0], $0xffff;
	[tilespmem:s1+$0x40] =	vst v26  }
0x1c9: {  	v55 =	vadd.s32 v14, v20;
	v27 =	vld.idx.msk [tilespmem:v50+s16+$0x0], $0xffff;
	[tilespmem:s22+$0x40] =	vst v28  }
0x1ca: {  	v56 =	vadd.s32 v14, v21;
	v19 =	vld.idx.msk [tilespmem:v19+s16+$0x0], $0xffff;
	[tilespmem:s5+$0x40] =	vst v29  }
0x1cb: {  	v57 =	vadd.s32 v14, v22;
	[tilespmem:s28+$0x50] =	vst v51;
	v30 =	vld.idx.msk [tilespmem:v52+s16+$0x0], $0xffff  }
0x1cc: {  	v58 =	vadd.s32 v14, v23;
	[tilespmem:s30+$0x50] =	vst v31;
	v32 =	vld.idx.msk [tilespmem:v53+s16+$0x0], $0xffff  }
0x1cd: {  	v17 =	vadd.s32 v15, v17;
	v24 =	vld.idx.msk [tilespmem:v54+s16+$0x0], $0xffff;
	[tilespmem:s31+$0x50] =	vst v25  }
0x1ce: {  	v18 =	vadd.s32 v15, v18;
	v25 =	vld.idx.msk [tilespmem:v55+s16+$0x0], $0xffff;
	[tilespmem:s1+$0x50] =	vst v27  }
0x1cf: {  	v59 =	vadd.s32 v15, v20;
	v60 =	vld.idx.msk [tilespmem:v56+s16+$0x0], $0xffff;
	[tilespmem:s22+$0x50] =	vst v19  }
0x1d0: {  	v19 =	vadd.s32 v15, v21;
	v61 =	vld.idx.msk [tilespmem:v57+s16+$0x0], $0xffff;
	[tilespmem:s5+$0x50] =	vst v30  }
0x1d1: {  	v62 =	vadd.s32 v15, v22;
	[tilespmem:s28+$0x60] =	vst v32;
	v63 =	vld.idx.msk [tilespmem:v58+s16+$0x0], $0xffff  }
0x1d2: {  	v23 =	vadd.s32 v15, v23;
	[tilespmem:s30+$0x60] =	vst v24;
	v17 =	vld.idx.msk [tilespmem:v17+s16+$0x0], $0xffff  }
0x1d3: {  	v18 =	vld.idx.msk [tilespmem:v18+s16+$0x0], $0xffff;
	[tilespmem:s31+$0x60] =	vst v25  }
0x1d4: {  	v20 =	vld.idx.msk [tilespmem:v59+s16+$0x0], $0xffff;
	[tilespmem:s1+$0x60] =	vst v60  }
0x1d5: {  	v19 =	vld.idx.msk [tilespmem:v19+s16+$0x0], $0xffff;
	[tilespmem:s22+$0x60] =	vst v61  }
0x1d6: {  	v21 =	vld.idx.msk [tilespmem:v62+s16+$0x0], $0xffff;
	[tilespmem:s5+$0x60] =	vst v63  }
0x1d7: {  	[tilespmem:s28+$0x70] =	vst v17;
	v17 =	vld.idx.msk [tilespmem:v23+s16+$0x0], $0xffff  }
0x1d8: {  	s29 =	sadd.s32 s6, s26;
	[tilespmem:s30+$0x70] =	vst v18  }
0x1d9: {  	s7 =	sshll.u32 s29, $0x2;
	[tilespmem:s31+$0x70] =	vst v20  }
0x1da: {  	s0 =	sshll.u32 s29, $0x5;
	s30 =	sand.u32 $0xC, s7;
	[tilespmem:s1+$0x70] =	vst v19  }
0x1db: {  	s0 =	sand.u32 $0xFFFFF80, s0;
	s1 =	sadd.s32 s2, s30;
	[tilespmem:s22+$0x70] =	vst v21  }
0x1dc: {  	s31 =	simm.s32 $0x18168;
	s0 =	sadd.s32 s0, s1;
	s1 =	simm.s32 $0x400;
	[tilespmem:s5+$0x70] =	vst v17  }
0x1dd: {  	[hbm4b:s0+s12] =	stream.strided.scatter [tilespmem:s31], [sflag:$0x4], $0x100, s18, s12, $0x38;
	[tilespmem:$0x1FE78] =	vst v63  }
.LBB2_13:
0x1de: {  	p0 =	sne.s32 s1, $0x1F000  }
.Ltmp6:
0x1df: {  	_ = 	snop;
	(pc) =	sbr.rel @p0 .LBB2_13-.Ltmp6, $4  }
0x1e0: {  	_ = 	snop  }
0x1e1: {  	s5 =	sshra.s32 s1, $0x2;
	s1 =	sadd.s32 $0x400, s1  }
0x1e2: {  	s0 =	sadd.s32 $0xC800, s0;
	s5 =	sadd.s32 $0x18168, s5  }
0x1e3: {  	[hbm4b:s0+s12] =	stream.strided.scatter [tilespmem:s5], [sflag:$0x4], $0x100, s18, s12, $0x38;
	[tilespmem:$0x1FE78] =	vst v63  }
0x1e4: {  	v17 =	vld [tilespmem:s25+$0x0];
	_ =	sdelay $0x1  }
0x1e5: {  	v18 =	vld [tilespmem:s25+$0x10];
	_ =	sdelay $0x2  }
0x1e6: {  	v19 =	vand.u32 $0x3FF, v17;
	v17 =	vshra.s32 v17, $0xA  }
0x1e7: {  	v19 =	vadd.s32 v0, v19  }
0x1e8: {  	v20 =	vand.u32 $0x3FF, v18;
	v18 =	vshra.s32 v18, $0xA  }
0x1e9: {  	v20 =	vadd.s32 v1, v20;
	_ =	sdelay $0x1  }
0x1ea: {  	v17 =	vld.idx.msk [tilespmem:v17+s11+$0x0], $0xffff  }
0x1eb: {  	v19 =	vld.idx.msk [tilespmem:v19+s16+$0x0], $0xffff  }
0x1ec: {  	v18 =	vld.idx.msk [tilespmem:v18+s11+$0x0], $0xffff  }
0x1ed: {  	v20 =	vld.idx.msk [tilespmem:v20+s16+$0x0], $0xffff  }
0x1ee: {  	s24 =	sadd.s32 $0x1, s24  }
0x1ef: {  	p0 =	sne.s32 s24, $0x19  }
.Ltmp7:
0x1f0: {  	v17 =	vsub.f32 v17, v19;
	(pc) =	sbr.rel @p0 .LBB2_2-.Ltmp7, $3  }
0x1f1: {  	_ = 	snop  }
0x1f2: {  	v16 =	vadd.f32 v17, v16;
	v17 =	vsub.f32 v18, v20;
	_ =	sdelay $0x1  }
0x1f3: {  	v16 =	vadd.f32 v17, v16  }
0x1f4: {  	_ =	swait.ge [sflag:s21], $0x7D00  }
0x1f5: {  	[sflag:s21] =	ssyncset.done $0x0  }
0x1f6: {  	[sflag:s21] =	ssyncadd.s32 $0xFFFF8300  }
0x1f7: {  	_ =	swait.ge [sflag:s20], $0x7D00  }
0x1f8: {  	s23 =	sadd.s32 $0x1, s23;
	[sflag:s20] =	ssyncset.done $0x0  }
0x1f9: {  	p0 =	sne.s32 s23, s9;
	[sflag:s20] =	ssyncadd.s32 $0xFFFF8300  }
.Ltmp8:
0x1fa: {  	s0 =	simm.s32 $0x1FE68;
	[tilespmem:$0x1FE68] =	vst v16;
	(pc) =	sbr.rel @p0 .LBB2_1-.Ltmp8, $4  }
0x1fb: {  	[hbm4b:s8+s3] =	stream.linear.scatter [tilespmem:s0], [sflag:$0x5], $0x10, $0x38;
	[tilespmem:$0x1FE78] =	vst v63  }
0x1fc: {  	_ =	swait.ge [sflag:s10], $0x10  }
0x1fd: {  	[sflag:s10] =	ssyncset.done $0x0  }
0x1fe: {  	[sflag:s10] =	ssyncadd.s32 $0xFFFFFFF0  }
0x1ff: {  	_ =	sfence.sel $0x180000  }
0x200: {  	[bflag:$0x0] =	sbarrier.arrive $0xFFFF  }
0x201: {  	_ =	strace $0x90000047  }
0x202: {  	s0 =	stileid.u32;
	[bflag:$0x2] =	sbarrier.arrive $0xFFFF  }
0x203: {  	p0 =	sne.s32 s0, $0x0;
	s0 =	rddreg [dreg:$0x2]  }
0x204: {  	s0 =	sadd.s32 @!p0 $0x100000, s0  }
0x205: {  	[sflag:s0] =	ssyncadd.tile.s32 @!p0 $0x1;
	_ =	shalt  }
.Lfunc_end2:
_tile_overlayer_lowered:
.L_overlay_start_2:
0x206: {  	(tag) =	ssettag $0x2  }
0x207: {  	s0 =	rddreg [dreg:$0x0];
	s2 =	stileid.u32  }
0x208: {  	s1 =	rddreg [dreg:$0x1];
	p0 =	sne.s32 s2, $0x0  }
0x209: {  	s3 =	rddreg [dreg:$0x2];
	[bflag:$0x3] =	sbarrier.arrive $0xFFFF;
	s2 =	simm.s32 @!p0 $0x1C05  }
0x20a: {  	[timem:s3], [sflag:s2] =	dma.local @!p0 [hbm:s0], s1  }
0x20b: {  	s0 =	simm.s32 @!p0 $0x5  }
0x20c: {  	_ =	swait.ge @!p0 [sflag:s0], s1  }
0x20d: {  	s1 =	ssub.s32 @!p0 $0x0, s1;
	[sflag:s0] =	ssyncset.done @!p0 $0x0  }
0x20e: {  	[sflag:s0] =	ssyncadd.s32 @!p0 s1  }
0x20f: {  	[bflag:$0x3] =	sbarrier.arrive $0xFFFF  }
0x210: {  	_ =	shalt  }

</sc_bundles>
